<compile_context>
chip_gen: v7x
topology: tpu7x:2x2x1
jax: 0.10.2.dev20260603
libtpu: 0.0.44.dev20260713+nightly
codegen_flags: <defaults>
</compile_context>

<pallas_src>
import functools

import jax
import jax.numpy as jnp
from jax import lax
from jax.experimental import pallas as pl
from jax.experimental.pallas import tpu as pltpu
from jax.experimental.pallas import tpu_sc as plsc

C = 128
K = 80
N_POINTS = 100000
N_CHUNKS = N_POINTS // K
NW = 32
MAXCH = 40


def _sc_loss(imgt, idx, feature):
    mesh = plsc.VectorSubcoreMesh(core_axis_name="c", subcore_axis_name="s")

    @functools.partial(
        pl.kernel,
        mesh=mesh,
        out_type=jax.ShapeDtypeStruct((NW, 2, C), jnp.float32),
        scratch_types=[
            pltpu.VMEM((MAXCH * K,), jnp.int32),
        ] + [pltpu.VMEM((K, C), jnp.float32)] * 8
          + [pltpu.VMEM((2, C), jnp.float32)]
          + [pltpu.SemaphoreType.DMA] * 8,
    )
    def k(imgt_hbm, idx_hbm, feat_hbm, out_hbm, idx_v,
          img0_v, img1_v, img2_v, img3_v,
          feat0_v, feat1_v, feat2_v, feat3_v, acc_v,
          sg0, sg1, sg2, sg3, sf0, sf1, sf2, sf3):
        wid = lax.axis_index("s") * 2 + lax.axis_index("c")
        base_ch = MAXCH * wid
        nch = jnp.minimum(MAXCH, jnp.maximum(N_CHUNKS - base_ch, 0))
        base_el = jnp.minimum(base_ch * K, N_POINTS - MAXCH * K)
        delta = base_ch * K - base_el

        pltpu.sync_copy(idx_hbm.at[pl.ds(base_el, MAXCH * K)], idx_v)

        acc_v[:, :] = jnp.zeros((2, C), jnp.float32)

        bufs = ((img0_v, feat0_v, sg0, sf0), (img1_v, feat1_v, sg1, sf1),
                (img2_v, feat2_v, sg2, sf2), (img3_v, feat3_v, sg3, sf3))

        def issue(ci, b):
            img_b, feat_b, sg, sf = bufs[b]

            @pl.when(ci < nch)
            def _():
                pltpu.async_copy(feat_hbm.at[pl.ds((base_ch + ci) * K, K)],
                                 feat_b, sf)
                pltpu.async_copy(
                    imgt_hbm.at[idx_v.at[pl.ds(
                        pl.multiple_of(delta + ci * K, 8), K)]], img_b, sg)

        def consume(ci, b):
            img_b, feat_b, sg, sf = bufs[b]

            @pl.when(ci < nch)
            def _():
                pltpu.make_async_copy(
                    imgt_hbm.at[idx_v.at[pl.ds(
                        pl.multiple_of(delta + ci * K, 8), K)]], img_b,
                    sg).wait()
                pltpu.make_async_copy(
                    feat_hbm.at[pl.ds((base_ch + ci) * K, K)], feat_b,
                    sf).wait()

                def row_body(r, acc):
                    rr = pl.multiple_of(2 * r, 2)
                    g2 = img_b[pl.ds(rr, 2), :]
                    t2 = feat_b[pl.ds(rr, 2), :]
                    d = g2 * 200.0 - t2
                    return acc + d * d

                acc_v[:, :] = lax.fori_loop(0, K // 2, row_body,
                                            acc_v[:, :])

        for b in range(4):
            issue(b, b)

        def outer(ci, _):
            for b in range(4):
                consume(ci + b, b)
                issue(ci + 4 + b, b)
            return 0

        lax.fori_loop(0, MAXCH // 4, lambda i, c: outer(4 * i, c), 0)

        acc_v[:, :] = acc_v[:, :] * (1.0 / 40000.0)
        pltpu.sync_copy(acc_v, out_hbm.at[wid])

    return k(imgt, idx, feature)


def kernel(image, points, feature):
    imgt = image[0].reshape(C, -1).T
    idx = points[:, 0] * 4096 + points[:, 1] * 64 + points[:, 2]
    partials = _sc_loss(imgt, idx.astype(jnp.int32), feature)
    return jnp.sum(partials)

# --- scband reference (transcript-rebuilt; emitter-appended) ---
"""Pipeline reference for scband-sift-loss-86517821210741 (READ-ONLY COPY).

The authoritative reference and input builder live on the scoring server;
editing this copy changes nothing except your own understanding.
"""

import jax, jax.numpy as jnp
import numpy as np


def setup_inputs(seed: int = 0) -> dict:
    key = jax.random.key(seed)
    k1, k2, k3 = jax.random.split(key, 3)
    image = jax.random.normal(k1, (1, 128, 64, 64, 64), dtype=jnp.float32)
    points = jax.random.randint(k2, (100000, 3), 0, 64).astype(jnp.int32)
    feature = jax.random.normal(k3, (100000, 128), dtype=jnp.float32)
    return {"image": image, "points": points, "feature": feature}


def reference(image, points, feature):
    # Original: loss = sum_i || image[0][:, p_i0, p_i1, p_i2] - feature[i]/200 ||^2
    img0 = image[0]  # [C, D, H, W]
    # Vectorized gather over all points: [C, N]
    gathered = img0[:, points[:, 0], points[:, 1], points[:, 2]]
    target = (feature / 200.0).T  # [C, N]
    loss = jnp.sum((gathered - target) ** 2)
    return loss

if __name__ == "__main__":
    import jax
    _d = setup_inputs()
    print(jax.jit(kernel)(*tuple(_d.values())))

</pallas_src>

<mosaic_0001>
#map = affine_map<(d0, d1) -> (0, 0)>
#map1 = affine_map<(d0, d1) -> (0)>
#map2 = affine_map<(d0, d1) -> (0, 0, 0)>
module attributes {stable_mosaic.version = 14 : i64} {
  func.func @k(%arg0: i32, %arg1: i32, %arg2: memref<262144x128xf32, #tpu.memory_space<hbm>>, %arg3: memref<100000xi32, #tpu.memory_space<hbm>>, %arg4: memref<100000x128xf32, #tpu.memory_space<hbm>>, %arg5: memref<32x2x128xf32, #tpu.memory_space<hbm>>, %arg6: memref<3200xi32, #tpu.memory_space<vmem>>, %arg7: memref<80x128xf32, #tpu.memory_space<vmem>>, %arg8: memref<80x128xf32, #tpu.memory_space<vmem>>, %arg9: memref<80x128xf32, #tpu.memory_space<vmem>>, %arg10: memref<80x128xf32, #tpu.memory_space<vmem>>, %arg11: memref<80x128xf32, #tpu.memory_space<vmem>>, %arg12: memref<80x128xf32, #tpu.memory_space<vmem>>, %arg13: memref<80x128xf32, #tpu.memory_space<vmem>>, %arg14: memref<80x128xf32, #tpu.memory_space<vmem>>, %arg15: memref<2x128xf32, #tpu.memory_space<vmem>>, %arg16: memref<!tpu.dma_semaphore, #tpu.memory_space<semaphore_mem>>, %arg17: memref<!tpu.dma_semaphore, #tpu.memory_space<semaphore_mem>>, %arg18: memref<!tpu.dma_semaphore, #tpu.memory_space<semaphore_mem>>, %arg19: memref<!tpu.dma_semaphore, #tpu.memory_space<semaphore_mem>>, %arg20: memref<!tpu.dma_semaphore, #tpu.memory_space<semaphore_mem>>, %arg21: memref<!tpu.dma_semaphore, #tpu.memory_space<semaphore_mem>>, %arg22: memref<!tpu.dma_semaphore, #tpu.memory_space<semaphore_mem>>, %arg23: memref<!tpu.dma_semaphore, #tpu.memory_space<semaphore_mem>>) attributes {dimension_semantics = [#tpu.dimension_semantics<core_parallel>, #tpu.dimension_semantics<subcore_parallel>], iteration_bounds = array<i64: 2, 16>, scalar_prefetch = 0 : i64, scratch_operands = 18 : i64, tpu.core_type = #tpu.core_type<sc_vector_subcore>, window_params = [{transform_indices = #map}, {transform_indices = #map1}, {transform_indices = #map}, {transform_indices = #map2}]} {
    %mul3A = arith.constant 2 : i32
    %mul3A_0 = arith.muli %arg1, %mul3A : i32
    %add3A = arith.addi %mul3A_0, %arg0 : i32
    %mul3A_1 = arith.constant 40 : i32
    %mul3A_2 = arith.muli %mul3A_1, %add3A : i32
    %sub3A = arith.constant 1250 : i32
    %sub3A_3 = arith.subi %sub3A, %mul3A_2 : i32
    %max3A = arith.constant 0 : i32
    %max3A_4 = arith.maxsi %sub3A_3, %max3A : i32
    %min3A = arith.constant 40 : i32
    %min3A_5 = arith.minsi %min3A, %max3A_4 : i32
    %mul3A_6 = arith.constant 80 : i32
    %mul3A_7 = arith.muli %mul3A_2, %mul3A_6 : i32
    %min3A_8 = arith.constant 96800 : i32
    %min3A_9 = arith.minsi %mul3A_7, %min3A_8 : i32
    %mul3A_10 = arith.constant 80 : i32
    %mul3A_11 = arith.muli %mul3A_2, %mul3A_10 : i32
    %sub3A_12 = arith.subi %mul3A_11, %min3A_9 : i32
    "tpu.region"() ({
      %run_scoped3A = tpu.sem_alloc : memref<!tpu.dma_semaphore, #tpu.memory_space<semaphore_mem>>
      %dma_start3A = tpu.memref_slice %arg3[%min3A_9] : memref<100000xi32, #tpu.memory_space<hbm>> -> memref<3200xi32, #tpu.memory_space<hbm>>
      %dma_start3A_52 = tpu.memref_slice %arg3[%min3A_9] : memref<100000xi32, #tpu.memory_space<hbm>> -> memref<3200xi32, #tpu.memory_space<hbm>>
      tpu.enqueue_dma source(%dma_start3A_52 : memref<3200xi32, #tpu.memory_space<hbm>>) target(%arg6 : memref<3200xi32, #tpu.memory_space<vmem>>) target_semaphore(%run_scoped3A : memref<!tpu.dma_semaphore, #tpu.memory_space<semaphore_mem>>)
      %dma_wait3A = tpu.memref_slice %arg3[%min3A_9] : memref<100000xi32, #tpu.memory_space<hbm>> -> memref<3200xi32, #tpu.memory_space<hbm>>
      %dma_wait3A_53 = tpu.memref_slice %arg3[%min3A_9] : memref<100000xi32, #tpu.memory_space<hbm>> -> memref<3200xi32, #tpu.memory_space<hbm>>
      tpu.wait_dma2 semaphore(%run_scoped3A : memref<!tpu.dma_semaphore, #tpu.memory_space<semaphore_mem>>) src(%dma_wait3A_53 : memref<3200xi32, #tpu.memory_space<hbm>>) dst(%arg6 : memref<3200xi32, #tpu.memory_space<vmem>>)
      tpu.yield
    }) : () -> ()
    %broadcast_in_dim3A = arith.constant 0.000000e+00 : f32
    %broadcast_in_dim3A_13 = vector.broadcast %broadcast_in_dim3A : f32 to vector<2x128xf32>
    %swap3A = arith.constant 0 : index
    %swap3A_14 = arith.constant 0 : index
    %swap3A_15 = tpu.vector_load %arg15[%swap3A, %swap3A_14] {strides = array<i32>} : memref<2x128xf32, #tpu.memory_space<vmem>>, vector<2x128xf32>,
    %swap3A_16 = vector.shape_cast %swap3A_15 : vector<2x128xf32> to vector<2x128xf32>
    %swap3A_17 = vector.shape_cast %broadcast_in_dim3A_13 : vector<2x128xf32> to vector<2x128xf32>
    tpu.vector_store %arg15[%swap3A, %swap3A_14], %swap3A_17 {strides = array<i32>} : memref<2x128xf32, #tpu.memory_space<vmem>>, vector<2x128xf32>,
    %gt3A = arith.constant 0 : i32
    %gt3A_18 = arith.cmpi sgt, %min3A_5, %gt3A : i32
    %convert_element_type3A = arith.extui %gt3A_18 : i1 to i32
    %cond3A = arith.constant 0 : i32
    %cond3A_19 = arith.cmpi ne, %convert_element_type3A, %cond3A : i32
    scf.if %cond3A_19 {
      %add3A_52 = arith.constant 0 : i32
      %add3A_53 = arith.addi %mul3A_2, %add3A_52 : i32
      %mul3A_54 = arith.constant 80 : i32
      %mul3A_55 = arith.muli %add3A_53, %mul3A_54 : i32
      %dma_start3A = arith.constant 0 : i32
      %dma_start3A_56 = tpu.memref_slice %arg4[%mul3A_55, %dma_start3A] : memref<100000x128xf32, #tpu.memory_space<hbm>> -> memref<80x128xf32, #tpu.memory_space<hbm>>
      %dma_start3A_57 = arith.constant 0 : i32
      %dma_start3A_58 = tpu.memref_slice %arg4[%mul3A_55, %dma_start3A_57] : memref<100000x128xf32, #tpu.memory_space<hbm>> -> memref<80x128xf32, #tpu.memory_space<hbm>>
      tpu.enqueue_dma source(%dma_start3A_58 : memref<80x128xf32, #tpu.memory_space<hbm>>) target(%arg11 : memref<80x128xf32, #tpu.memory_space<vmem>>) target_semaphore(%arg20 : memref<!tpu.dma_semaphore, #tpu.memory_space<semaphore_mem>>)
      %add3A_59 = arith.constant 0 : i32
      %add3A_60 = arith.addi %sub3A_12, %add3A_59 : i32
      %multiple_of3A = tpu.assume_multiple %add3A_60, 8 : i32
      %dma_start3A_61 = tpu.memref_slice %arg6[%multiple_of3A] : memref<3200xi32, #tpu.memory_space<vmem>> -> memref<80xi32, #tpu.memory_space<vmem>>
      %dma_start3A_62 = arith.constant 0 : i32
      %dma_start3A_63 = arith.constant 0 : i32
      %dma_start3A_64 = tpu.memref_slice %arg2[%dma_start3A_62, %dma_start3A_63] : memref<262144x128xf32, #tpu.memory_space<hbm>> -> memref<262144x128xf32, #tpu.memory_space<hbm>>
      tpu.enqueue_indirect_dma source(%dma_start3A_64 : memref<262144x128xf32, #tpu.memory_space<hbm>>) target(%arg7 : memref<80x128xf32, #tpu.memory_space<vmem>>) offsets(%dma_start3A_61 : memref<80xi32, #tpu.memory_space<vmem>>) semaphore(%arg16 : memref<!tpu.dma_semaphore, #tpu.memory_space<semaphore_mem>>)
    } else {
    }
    %gt3A_20 = arith.constant 1 : i32
    %gt3A_21 = arith.cmpi sgt, %min3A_5, %gt3A_20 : i32
    %convert_element_type3A_22 = arith.extui %gt3A_21 : i1 to i32
    %cond3A_23 = arith.constant 0 : i32
    %cond3A_24 = arith.cmpi ne, %convert_element_type3A_22, %cond3A_23 : i32
    scf.if %cond3A_24 {
      %add3A_52 = arith.constant 1 : i32
      %add3A_53 = arith.addi %mul3A_2, %add3A_52 : i32
      %mul3A_54 = arith.constant 80 : i32
      %mul3A_55 = arith.muli %add3A_53, %mul3A_54 : i32
      %dma_start3A = arith.constant 0 : i32
      %dma_start3A_56 = tpu.memref_slice %arg4[%mul3A_55, %dma_start3A] : memref<100000x128xf32, #tpu.memory_space<hbm>> -> memref<80x128xf32, #tpu.memory_space<hbm>>
      %dma_start3A_57 = arith.constant 0 : i32
      %dma_start3A_58 = tpu.memref_slice %arg4[%mul3A_55, %dma_start3A_57] : memref<100000x128xf32, #tpu.memory_space<hbm>> -> memref<80x128xf32, #tpu.memory_space<hbm>>
      tpu.enqueue_dma source(%dma_start3A_58 : memref<80x128xf32, #tpu.memory_space<hbm>>) target(%arg12 : memref<80x128xf32, #tpu.memory_space<vmem>>) target_semaphore(%arg21 : memref<!tpu.dma_semaphore, #tpu.memory_space<semaphore_mem>>)
      %add3A_59 = arith.constant 80 : i32
      %add3A_60 = arith.addi %sub3A_12, %add3A_59 : i32
      %multiple_of3A = tpu.assume_multiple %add3A_60, 8 : i32
      %dma_start3A_61 = tpu.memref_slice %arg6[%multiple_of3A] : memref<3200xi32, #tpu.memory_space<vmem>> -> memref<80xi32, #tpu.memory_space<vmem>>
      %dma_start3A_62 = arith.constant 0 : i32
      %dma_start3A_63 = arith.constant 0 : i32
      %dma_start3A_64 = tpu.memref_slice %arg2[%dma_start3A_62, %dma_start3A_63] : memref<262144x128xf32, #tpu.memory_space<hbm>> -> memref<262144x128xf32, #tpu.memory_space<hbm>>
      tpu.enqueue_indirect_dma source(%dma_start3A_64 : memref<262144x128xf32, #tpu.memory_space<hbm>>) target(%arg8 : memref<80x128xf32, #tpu.memory_space<vmem>>) offsets(%dma_start3A_61 : memref<80xi32, #tpu.memory_space<vmem>>) semaphore(%arg17 : memref<!tpu.dma_semaphore, #tpu.memory_space<semaphore_mem>>)
    } else {
    }
    %gt3A_25 = arith.constant 2 : i32
    %gt3A_26 = arith.cmpi sgt, %min3A_5, %gt3A_25 : i32
    %convert_element_type3A_27 = arith.extui %gt3A_26 : i1 to i32
    %cond3A_28 = arith.constant 0 : i32
    %cond3A_29 = arith.cmpi ne, %convert_element_type3A_27, %cond3A_28 : i32
    scf.if %cond3A_29 {
      %add3A_52 = arith.constant 2 : i32
      %add3A_53 = arith.addi %mul3A_2, %add3A_52 : i32
      %mul3A_54 = arith.constant 80 : i32
      %mul3A_55 = arith.muli %add3A_53, %mul3A_54 : i32
      %dma_start3A = arith.constant 0 : i32
      %dma_start3A_56 = tpu.memref_slice %arg4[%mul3A_55, %dma_start3A] : memref<100000x128xf32, #tpu.memory_space<hbm>> -> memref<80x128xf32, #tpu.memory_space<hbm>>
      %dma_start3A_57 = arith.constant 0 : i32
      %dma_start3A_58 = tpu.memref_slice %arg4[%mul3A_55, %dma_start3A_57] : memref<100000x128xf32, #tpu.memory_space<hbm>> -> memref<80x128xf32, #tpu.memory_space<hbm>>
      tpu.enqueue_dma source(%dma_start3A_58 : memref<80x128xf32, #tpu.memory_space<hbm>>) target(%arg13 : memref<80x128xf32, #tpu.memory_space<vmem>>) target_semaphore(%arg22 : memref<!tpu.dma_semaphore, #tpu.memory_space<semaphore_mem>>)
      %add3A_59 = arith.constant 160 : i32
      %add3A_60 = arith.addi %sub3A_12, %add3A_59 : i32
      %multiple_of3A = tpu.assume_multiple %add3A_60, 8 : i32
      %dma_start3A_61 = tpu.memref_slice %arg6[%multiple_of3A] : memref<3200xi32, #tpu.memory_space<vmem>> -> memref<80xi32, #tpu.memory_space<vmem>>
      %dma_start3A_62 = arith.constant 0 : i32
      %dma_start3A_63 = arith.constant 0 : i32
      %dma_start3A_64 = tpu.memref_slice %arg2[%dma_start3A_62, %dma_start3A_63] : memref<262144x128xf32, #tpu.memory_space<hbm>> -> memref<262144x128xf32, #tpu.memory_space<hbm>>
      tpu.enqueue_indirect_dma source(%dma_start3A_64 : memref<262144x128xf32, #tpu.memory_space<hbm>>) target(%arg9 : memref<80x128xf32, #tpu.memory_space<vmem>>) offsets(%dma_start3A_61 : memref<80xi32, #tpu.memory_space<vmem>>) semaphore(%arg18 : memref<!tpu.dma_semaphore, #tpu.memory_space<semaphore_mem>>)
    } else {
    }
    %gt3A_30 = arith.constant 3 : i32
    %gt3A_31 = arith.cmpi sgt, %min3A_5, %gt3A_30 : i32
    %convert_element_type3A_32 = arith.extui %gt3A_31 : i1 to i32
    %cond3A_33 = arith.constant 0 : i32
    %cond3A_34 = arith.cmpi ne, %convert_element_type3A_32, %cond3A_33 : i32
    scf.if %cond3A_34 {
      %add3A_52 = arith.constant 3 : i32
      %add3A_53 = arith.addi %mul3A_2, %add3A_52 : i32
      %mul3A_54 = arith.constant 80 : i32
      %mul3A_55 = arith.muli %add3A_53, %mul3A_54 : i32
      %dma_start3A = arith.constant 0 : i32
      %dma_start3A_56 = tpu.memref_slice %arg4[%mul3A_55, %dma_start3A] : memref<100000x128xf32, #tpu.memory_space<hbm>> -> memref<80x128xf32, #tpu.memory_space<hbm>>
      %dma_start3A_57 = arith.constant 0 : i32
      %dma_start3A_58 = tpu.memref_slice %arg4[%mul3A_55, %dma_start3A_57] : memref<100000x128xf32, #tpu.memory_space<hbm>> -> memref<80x128xf32, #tpu.memory_space<hbm>>
      tpu.enqueue_dma source(%dma_start3A_58 : memref<80x128xf32, #tpu.memory_space<hbm>>) target(%arg14 : memref<80x128xf32, #tpu.memory_space<vmem>>) target_semaphore(%arg23 : memref<!tpu.dma_semaphore, #tpu.memory_space<semaphore_mem>>)
      %add3A_59 = arith.constant 240 : i32
      %add3A_60 = arith.addi %sub3A_12, %add3A_59 : i32
      %multiple_of3A = tpu.assume_multiple %add3A_60, 8 : i32
      %dma_start3A_61 = tpu.memref_slice %arg6[%multiple_of3A] : memref<3200xi32, #tpu.memory_space<vmem>> -> memref<80xi32, #tpu.memory_space<vmem>>
      %dma_start3A_62 = arith.constant 0 : i32
      %dma_start3A_63 = arith.constant 0 : i32
      %dma_start3A_64 = tpu.memref_slice %arg2[%dma_start3A_62, %dma_start3A_63] : memref<262144x128xf32, #tpu.memory_space<hbm>> -> memref<262144x128xf32, #tpu.memory_space<hbm>>
      tpu.enqueue_indirect_dma source(%dma_start3A_64 : memref<262144x128xf32, #tpu.memory_space<hbm>>) target(%arg10 : memref<80x128xf32, #tpu.memory_space<vmem>>) offsets(%dma_start3A_61 : memref<80xi32, #tpu.memory_space<vmem>>) semaphore(%arg19 : memref<!tpu.dma_semaphore, #tpu.memory_space<semaphore_mem>>)
    } else {
    }
    %scan3A = arith.constant 0 : i32
    %scan3A_35 = arith.constant 0 : i32
    %scan3A_36 = arith.constant 10 : i32
    %scan3A_37 = arith.addi %scan3A_35, %scan3A_36 : i32
    %scan3A_38 = arith.constant 1 : i32
    %scan3A_39 = scf.for %scan3A_52 = %scan3A_35 to %scan3A_37 step %scan3A_38 iter_args(%scan3A_53 = %scan3A) -> (i32)  : i32 {
      %mul3A_54 = arith.constant 4 : i32
      %mul3A_55 = arith.muli %mul3A_54, %scan3A_52 : i32
      %add3A_56 = arith.constant 0 : i32
      %add3A_57 = arith.addi %mul3A_55, %add3A_56 : i32
      %lt3A = arith.cmpi slt, %add3A_57, %min3A_5 : i32
      %convert_element_type3A_58 = arith.extui %lt3A : i1 to i32
      %cond3A_59 = arith.constant 0 : i32
      %cond3A_60 = arith.cmpi ne, %convert_element_type3A_58, %cond3A_59 : i32
      scf.if %cond3A_60 {
        %mul3A_112 = arith.constant 80 : i32
        %mul3A_113 = arith.muli %add3A_57, %mul3A_112 : i32
        %add3A_114 = arith.addi %sub3A_12, %mul3A_113 : i32
        %multiple_of3A = tpu.assume_multiple %add3A_114, 8 : i32
        %dma_wait3A = tpu.memref_slice %arg6[%multiple_of3A] : memref<3200xi32, #tpu.memory_space<vmem>> -> memref<80xi32, #tpu.memory_space<vmem>>
        %dma_wait3A_115 = arith.constant 0 : i32
        %dma_wait3A_116 = arith.constant 0 : i32
        %dma_wait3A_117 = tpu.memref_slice %arg2[%dma_wait3A_115, %dma_wait3A_116] : memref<262144x128xf32, #tpu.memory_space<hbm>> -> memref<262144x128xf32, #tpu.memory_space<hbm>>
        tpu.wait_indirect_dma semaphore(%arg16 : memref<!tpu.dma_semaphore, #tpu.memory_space<semaphore_mem>>) src(%dma_wait3A_117 : memref<262144x128xf32, #tpu.memory_space<hbm>>) dst(%arg7 : memref<80x128xf32, #tpu.memory_space<vmem>>)
        %add3A_118 = arith.addi %mul3A_2, %add3A_57 : i32
        %mul3A_119 = arith.constant 80 : i32
        %mul3A_120 = arith.muli %add3A_118, %mul3A_119 : i32
        %dma_wait3A_121 = arith.constant 0 : i32
        %dma_wait3A_122 = tpu.memref_slice %arg4[%mul3A_120, %dma_wait3A_121] : memref<100000x128xf32, #tpu.memory_space<hbm>> -> memref<80x128xf32, #tpu.memory_space<hbm>>
        %dma_wait3A_123 = arith.constant 0 : i32
        %dma_wait3A_124 = tpu.memref_slice %arg4[%mul3A_120, %dma_wait3A_123] : memref<100000x128xf32, #tpu.memory_space<hbm>> -> memref<80x128xf32, #tpu.memory_space<hbm>>
        tpu.wait_dma2 semaphore(%arg20 : memref<!tpu.dma_semaphore, #tpu.memory_space<semaphore_mem>>) src(%dma_wait3A_124 : memref<80x128xf32, #tpu.memory_space<hbm>>) dst(%arg11 : memref<80x128xf32, #tpu.memory_space<vmem>>)
        %get3A_125 = arith.constant 0 : index
        %get3A_126 = arith.constant 0 : index
        %get3A_127 = tpu.vector_load %arg15[%get3A_125, %get3A_126] {strides = array<i32>} : memref<2x128xf32, #tpu.memory_space<vmem>>, vector<2x128xf32>,
        %get3A_128 = vector.shape_cast %get3A_127 : vector<2x128xf32> to vector<2x128xf32>
        %scan3A_129 = arith.constant 0 : i32
        %scan3A_130 = arith.constant 40 : i32
        %scan3A_131 = arith.addi %scan3A_129, %scan3A_130 : i32
        %scan3A_132 = arith.constant 1 : i32
        %scan3A_133 = scf.for %scan3A_140 = %scan3A_129 to %scan3A_131 step %scan3A_132 iter_args(%scan3A_141 = %get3A_128) -> (vector<2x128xf32>)  : i32 {
          %mul3A_142 = arith.constant 2 : i32
          %mul3A_143 = arith.muli %mul3A_142, %scan3A_140 : i32
          %multiple_of3A_144 = tpu.assume_multiple %mul3A_143, 2 : i32
          %get3A_145 = arith.index_cast %multiple_of3A_144 : i32 to index
          %get3A_146 = arith.constant 0 : index
          %get3A_147 = tpu.vector_load %arg7[%get3A_145, %get3A_146] {strides = array<i32>} : memref<80x128xf32, #tpu.memory_space<vmem>>, vector<2x128xf32>,
          %get3A_148 = vector.shape_cast %get3A_147 : vector<2x128xf32> to vector<2x128xf32>
          %get3A_149 = arith.index_cast %multiple_of3A_144 : i32 to index
          %get3A_150 = arith.constant 0 : index
          %get3A_151 = tpu.vector_load %arg11[%get3A_149, %get3A_150] {strides = array<i32>} : memref<80x128xf32, #tpu.memory_space<vmem>>, vector<2x128xf32>,
          %get3A_152 = vector.shape_cast %get3A_151 : vector<2x128xf32> to vector<2x128xf32>
          %mul3A_153 = arith.constant 2.000000e+02 : f32
          %mul3A_154 = vector.broadcast %mul3A_153 : f32 to vector<2x128xf32>
          %mul3A_155 = arith.mulf %get3A_148, %mul3A_154 : vector<2x128xf32>
          %sub3A_156 = arith.subf %mul3A_155, %get3A_152 : vector<2x128xf32>
          %mul3A_157 = arith.mulf %sub3A_156, %sub3A_156 : vector<2x128xf32>
          %add3A_158 = arith.addf %scan3A_141, %mul3A_157 : vector<2x128xf32>
          scf.yield %add3A_158 : vector<2x128xf32>
        }
        %scan3A_134 = arith.constant 40 : i32
        %swap3A_135 = arith.constant 0 : index
        %swap3A_136 = arith.constant 0 : index
        %swap3A_137 = tpu.vector_load %arg15[%swap3A_135, %swap3A_136] {strides = array<i32>} : memref<2x128xf32, #tpu.memory_space<vmem>>, vector<2x128xf32>,
        %swap3A_138 = vector.shape_cast %swap3A_137 : vector<2x128xf32> to vector<2x128xf32>
        %swap3A_139 = vector.shape_cast %scan3A_133 : vector<2x128xf32> to vector<2x128xf32>
        tpu.vector_store %arg15[%swap3A_135, %swap3A_136], %swap3A_139 {strides = array<i32>} : memref<2x128xf32, #tpu.memory_space<vmem>>, vector<2x128xf32>,
      } else {
      }
      %add3A_61 = arith.constant 4 : i32
      %add3A_62 = arith.addi %mul3A_55, %add3A_61 : i32
      %add3A_63 = arith.constant 0 : i32
      %add3A_64 = arith.addi %add3A_62, %add3A_63 : i32
      %lt3A_65 = arith.cmpi slt, %add3A_64, %min3A_5 : i32
      %convert_element_type3A_66 = arith.extui %lt3A_65 : i1 to i32
      %cond3A_67 = arith.constant 0 : i32
      %cond3A_68 = arith.cmpi ne, %convert_element_type3A_66, %cond3A_67 : i32
      scf.if %cond3A_68 {
        %add3A_112 = arith.addi %mul3A_2, %add3A_64 : i32
        %mul3A_113 = arith.constant 80 : i32
        %mul3A_114 = arith.muli %add3A_112, %mul3A_113 : i32
        %dma_start3A = arith.constant 0 : i32
        %dma_start3A_115 = tpu.memref_slice %arg4[%mul3A_114, %dma_start3A] : memref<100000x128xf32, #tpu.memory_space<hbm>> -> memref<80x128xf32, #tpu.memory_space<hbm>>
        %dma_start3A_116 = arith.constant 0 : i32
        %dma_start3A_117 = tpu.memref_slice %arg4[%mul3A_114, %dma_start3A_116] : memref<100000x128xf32, #tpu.memory_space<hbm>> -> memref<80x128xf32, #tpu.memory_space<hbm>>
        tpu.enqueue_dma source(%dma_start3A_117 : memref<80x128xf32, #tpu.memory_space<hbm>>) target(%arg11 : memref<80x128xf32, #tpu.memory_space<vmem>>) target_semaphore(%arg20 : memref<!tpu.dma_semaphore, #tpu.memory_space<semaphore_mem>>)
        %mul3A_118 = arith.constant 80 : i32
        %mul3A_119 = arith.muli %add3A_64, %mul3A_118 : i32
        %add3A_120 = arith.addi %sub3A_12, %mul3A_119 : i32
        %multiple_of3A = tpu.assume_multiple %add3A_120, 8 : i32
        %dma_start3A_121 = tpu.memref_slice %arg6[%multiple_of3A] : memref<3200xi32, #tpu.memory_space<vmem>> -> memref<80xi32, #tpu.memory_space<vmem>>
        %dma_start3A_122 = arith.constant 0 : i32
        %dma_start3A_123 = arith.constant 0 : i32
        %dma_start3A_124 = tpu.memref_slice %arg2[%dma_start3A_122, %dma_start3A_123] : memref<262144x128xf32, #tpu.memory_space<hbm>> -> memref<262144x128xf32, #tpu.memory_space<hbm>>
        tpu.enqueue_indirect_dma source(%dma_start3A_124 : memref<262144x128xf32, #tpu.memory_space<hbm>>) target(%arg7 : memref<80x128xf32, #tpu.memory_space<vmem>>) offsets(%dma_start3A_121 : memref<80xi32, #tpu.memory_space<vmem>>) semaphore(%arg16 : memref<!tpu.dma_semaphore, #tpu.memory_space<semaphore_mem>>)
      } else {
      }
      %add3A_69 = arith.constant 1 : i32
      %add3A_70 = arith.addi %mul3A_55, %add3A_69 : i32
      %lt3A_71 = arith.cmpi slt, %add3A_70, %min3A_5 : i32
      %convert_element_type3A_72 = arith.extui %lt3A_71 : i1 to i32
      %cond3A_73 = arith.constant 0 : i32
      %cond3A_74 = arith.cmpi ne, %convert_element_type3A_72, %cond3A_73 : i32
      scf.if %cond3A_74 {
        %mul3A_112 = arith.constant 80 : i32
        %mul3A_113 = arith.muli %add3A_70, %mul3A_112 : i32
        %add3A_114 = arith.addi %sub3A_12, %mul3A_113 : i32
        %multiple_of3A = tpu.assume_multiple %add3A_114, 8 : i32
        %dma_wait3A = tpu.memref_slice %arg6[%multiple_of3A] : memref<3200xi32, #tpu.memory_space<vmem>> -> memref<80xi32, #tpu.memory_space<vmem>>
        %dma_wait3A_115 = arith.constant 0 : i32
        %dma_wait3A_116 = arith.constant 0 : i32
        %dma_wait3A_117 = tpu.memref_slice %arg2[%dma_wait3A_115, %dma_wait3A_116] : memref<262144x128xf32, #tpu.memory_space<hbm>> -> memref<262144x128xf32, #tpu.memory_space<hbm>>
        tpu.wait_indirect_dma semaphore(%arg17 : memref<!tpu.dma_semaphore, #tpu.memory_space<semaphore_mem>>) src(%dma_wait3A_117 : memref<262144x128xf32, #tpu.memory_space<hbm>>) dst(%arg8 : memref<80x128xf32, #tpu.memory_space<vmem>>)
        %add3A_118 = arith.addi %mul3A_2, %add3A_70 : i32
        %mul3A_119 = arith.constant 80 : i32
        %mul3A_120 = arith.muli %add3A_118, %mul3A_119 : i32
        %dma_wait3A_121 = arith.constant 0 : i32
        %dma_wait3A_122 = tpu.memref_slice %arg4[%mul3A_120, %dma_wait3A_121] : memref<100000x128xf32, #tpu.memory_space<hbm>> -> memref<80x128xf32, #tpu.memory_space<hbm>>
        %dma_wait3A_123 = arith.constant 0 : i32
        %dma_wait3A_124 = tpu.memref_slice %arg4[%mul3A_120, %dma_wait3A_123] : memref<100000x128xf32, #tpu.memory_space<hbm>> -> memref<80x128xf32, #tpu.memory_space<hbm>>
        tpu.wait_dma2 semaphore(%arg21 : memref<!tpu.dma_semaphore, #tpu.memory_space<semaphore_mem>>) src(%dma_wait3A_124 : memref<80x128xf32, #tpu.memory_space<hbm>>) dst(%arg12 : memref<80x128xf32, #tpu.memory_space<vmem>>)
        %get3A_125 = arith.constant 0 : index
        %get3A_126 = arith.constant 0 : index
        %get3A_127 = tpu.vector_load %arg15[%get3A_125, %get3A_126] {strides = array<i32>} : memref<2x128xf32, #tpu.memory_space<vmem>>, vector<2x128xf32>,
        %get3A_128 = vector.shape_cast %get3A_127 : vector<2x128xf32> to vector<2x128xf32>
        %scan3A_129 = arith.constant 0 : i32
        %scan3A_130 = arith.constant 40 : i32
        %scan3A_131 = arith.addi %scan3A_129, %scan3A_130 : i32
        %scan3A_132 = arith.constant 1 : i32
        %scan3A_133 = scf.for %scan3A_140 = %scan3A_129 to %scan3A_131 step %scan3A_132 iter_args(%scan3A_141 = %get3A_128) -> (vector<2x128xf32>)  : i32 {
          %mul3A_142 = arith.constant 2 : i32
          %mul3A_143 = arith.muli %mul3A_142, %scan3A_140 : i32
          %multiple_of3A_144 = tpu.assume_multiple %mul3A_143, 2 : i32
          %get3A_145 = arith.index_cast %multiple_of3A_144 : i32 to index
          %get3A_146 = arith.constant 0 : index
          %get3A_147 = tpu.vector_load %arg8[%get3A_145, %get3A_146] {strides = array<i32>} : memref<80x128xf32, #tpu.memory_space<vmem>>, vector<2x128xf32>,
          %get3A_148 = vector.shape_cast %get3A_147 : vector<2x128xf32> to vector<2x128xf32>
          %get3A_149 = arith.index_cast %multiple_of3A_144 : i32 to index
          %get3A_150 = arith.constant 0 : index
          %get3A_151 = tpu.vector_load %arg12[%get3A_149, %get3A_150] {strides = array<i32>} : memref<80x128xf32, #tpu.memory_space<vmem>>, vector<2x128xf32>,
          %get3A_152 = vector.shape_cast %get3A_151 : vector<2x128xf32> to vector<2x128xf32>
          %mul3A_153 = arith.constant 2.000000e+02 : f32
          %mul3A_154 = vector.broadcast %mul3A_153 : f32 to vector<2x128xf32>
          %mul3A_155 = arith.mulf %get3A_148, %mul3A_154 : vector<2x128xf32>
          %sub3A_156 = arith.subf %mul3A_155, %get3A_152 : vector<2x128xf32>
          %mul3A_157 = arith.mulf %sub3A_156, %sub3A_156 : vector<2x128xf32>
          %add3A_158 = arith.addf %scan3A_141, %mul3A_157 : vector<2x128xf32>
          scf.yield %add3A_158 : vector<2x128xf32>
        }
        %scan3A_134 = arith.constant 40 : i32
        %swap3A_135 = arith.constant 0 : index
        %swap3A_136 = arith.constant 0 : index
        %swap3A_137 = tpu.vector_load %arg15[%swap3A_135, %swap3A_136] {strides = array<i32>} : memref<2x128xf32, #tpu.memory_space<vmem>>, vector<2x128xf32>,
        %swap3A_138 = vector.shape_cast %swap3A_137 : vector<2x128xf32> to vector<2x128xf32>
        %swap3A_139 = vector.shape_cast %scan3A_133 : vector<2x128xf32> to vector<2x128xf32>
        tpu.vector_store %arg15[%swap3A_135, %swap3A_136], %swap3A_139 {strides = array<i32>} : memref<2x128xf32, #tpu.memory_space<vmem>>, vector<2x128xf32>,
      } else {
      }
      %add3A_75 = arith.constant 4 : i32
      %add3A_76 = arith.addi %mul3A_55, %add3A_75 : i32
      %add3A_77 = arith.constant 1 : i32
      %add3A_78 = arith.addi %add3A_76, %add3A_77 : i32
      %lt3A_79 = arith.cmpi slt, %add3A_78, %min3A_5 : i32
      %convert_element_type3A_80 = arith.extui %lt3A_79 : i1 to i32
      %cond3A_81 = arith.constant 0 : i32
      %cond3A_82 = arith.cmpi ne, %convert_element_type3A_80, %cond3A_81 : i32
      scf.if %cond3A_82 {
        %add3A_112 = arith.addi %mul3A_2, %add3A_78 : i32
        %mul3A_113 = arith.constant 80 : i32
        %mul3A_114 = arith.muli %add3A_112, %mul3A_113 : i32
        %dma_start3A = arith.constant 0 : i32
        %dma_start3A_115 = tpu.memref_slice %arg4[%mul3A_114, %dma_start3A] : memref<100000x128xf32, #tpu.memory_space<hbm>> -> memref<80x128xf32, #tpu.memory_space<hbm>>
        %dma_start3A_116 = arith.constant 0 : i32
        %dma_start3A_117 = tpu.memref_slice %arg4[%mul3A_114, %dma_start3A_116] : memref<100000x128xf32, #tpu.memory_space<hbm>> -> memref<80x128xf32, #tpu.memory_space<hbm>>
        tpu.enqueue_dma source(%dma_start3A_117 : memref<80x128xf32, #tpu.memory_space<hbm>>) target(%arg12 : memref<80x128xf32, #tpu.memory_space<vmem>>) target_semaphore(%arg21 : memref<!tpu.dma_semaphore, #tpu.memory_space<semaphore_mem>>)
        %mul3A_118 = arith.constant 80 : i32
        %mul3A_119 = arith.muli %add3A_78, %mul3A_118 : i32
        %add3A_120 = arith.addi %sub3A_12, %mul3A_119 : i32
        %multiple_of3A = tpu.assume_multiple %add3A_120, 8 : i32
        %dma_start3A_121 = tpu.memref_slice %arg6[%multiple_of3A] : memref<3200xi32, #tpu.memory_space<vmem>> -> memref<80xi32, #tpu.memory_space<vmem>>
        %dma_start3A_122 = arith.constant 0 : i32
        %dma_start3A_123 = arith.constant 0 : i32
        %dma_start3A_124 = tpu.memref_slice %arg2[%dma_start3A_122, %dma_start3A_123] : memref<262144x128xf32, #tpu.memory_space<hbm>> -> memref<262144x128xf32, #tpu.memory_space<hbm>>
        tpu.enqueue_indirect_dma source(%dma_start3A_124 : memref<262144x128xf32, #tpu.memory_space<hbm>>) target(%arg8 : memref<80x128xf32, #tpu.memory_space<vmem>>) offsets(%dma_start3A_121 : memref<80xi32, #tpu.memory_space<vmem>>) semaphore(%arg17 : memref<!tpu.dma_semaphore, #tpu.memory_space<semaphore_mem>>)
      } else {
      }
      %add3A_83 = arith.constant 2 : i32
      %add3A_84 = arith.addi %mul3A_55, %add3A_83 : i32
      %lt3A_85 = arith.cmpi slt, %add3A_84, %min3A_5 : i32
      %convert_element_type3A_86 = arith.extui %lt3A_85 : i1 to i32
      %cond3A_87 = arith.constant 0 : i32
      %cond3A_88 = arith.cmpi ne, %convert_element_type3A_86, %cond3A_87 : i32
      scf.if %cond3A_88 {
        %mul3A_112 = arith.constant 80 : i32
        %mul3A_113 = arith.muli %add3A_84, %mul3A_112 : i32
        %add3A_114 = arith.addi %sub3A_12, %mul3A_113 : i32
        %multiple_of3A = tpu.assume_multiple %add3A_114, 8 : i32
        %dma_wait3A = tpu.memref_slice %arg6[%multiple_of3A] : memref<3200xi32, #tpu.memory_space<vmem>> -> memref<80xi32, #tpu.memory_space<vmem>>
        %dma_wait3A_115 = arith.constant 0 : i32
        %dma_wait3A_116 = arith.constant 0 : i32
        %dma_wait3A_117 = tpu.memref_slice %arg2[%dma_wait3A_115, %dma_wait3A_116] : memref<262144x128xf32, #tpu.memory_space<hbm>> -> memref<262144x128xf32, #tpu.memory_space<hbm>>
        tpu.wait_indirect_dma semaphore(%arg18 : memref<!tpu.dma_semaphore, #tpu.memory_space<semaphore_mem>>) src(%dma_wait3A_117 : memref<262144x128xf32, #tpu.memory_space<hbm>>) dst(%arg9 : memref<80x128xf32, #tpu.memory_space<vmem>>)
        %add3A_118 = arith.addi %mul3A_2, %add3A_84 : i32
        %mul3A_119 = arith.constant 80 : i32
        %mul3A_120 = arith.muli %add3A_118, %mul3A_119 : i32
        %dma_wait3A_121 = arith.constant 0 : i32
        %dma_wait3A_122 = tpu.memref_slice %arg4[%mul3A_120, %dma_wait3A_121] : memref<100000x128xf32, #tpu.memory_space<hbm>> -> memref<80x128xf32, #tpu.memory_space<hbm>>
        %dma_wait3A_123 = arith.constant 0 : i32
        %dma_wait3A_124 = tpu.memref_slice %arg4[%mul3A_120, %dma_wait3A_123] : memref<100000x128xf32, #tpu.memory_space<hbm>> -> memref<80x128xf32, #tpu.memory_space<hbm>>
        tpu.wait_dma2 semaphore(%arg22 : memref<!tpu.dma_semaphore, #tpu.memory_space<semaphore_mem>>) src(%dma_wait3A_124 : memref<80x128xf32, #tpu.memory_space<hbm>>) dst(%arg13 : memref<80x128xf32, #tpu.memory_space<vmem>>)
        %get3A_125 = arith.constant 0 : index
        %get3A_126 = arith.constant 0 : index
        %get3A_127 = tpu.vector_load %arg15[%get3A_125, %get3A_126] {strides = array<i32>} : memref<2x128xf32, #tpu.memory_space<vmem>>, vector<2x128xf32>,
        %get3A_128 = vector.shape_cast %get3A_127 : vector<2x128xf32> to vector<2x128xf32>
        %scan3A_129 = arith.constant 0 : i32
        %scan3A_130 = arith.constant 40 : i32
        %scan3A_131 = arith.addi %scan3A_129, %scan3A_130 : i32
        %scan3A_132 = arith.constant 1 : i32
        %scan3A_133 = scf.for %scan3A_140 = %scan3A_129 to %scan3A_131 step %scan3A_132 iter_args(%scan3A_141 = %get3A_128) -> (vector<2x128xf32>)  : i32 {
          %mul3A_142 = arith.constant 2 : i32
          %mul3A_143 = arith.muli %mul3A_142, %scan3A_140 : i32
          %multiple_of3A_144 = tpu.assume_multiple %mul3A_143, 2 : i32
          %get3A_145 = arith.index_cast %multiple_of3A_144 : i32 to index
          %get3A_146 = arith.constant 0 : index
          %get3A_147 = tpu.vector_load %arg9[%get3A_145, %get3A_146] {strides = array<i32>} : memref<80x128xf32, #tpu.memory_space<vmem>>, vector<2x128xf32>,
          %get3A_148 = vector.shape_cast %get3A_147 : vector<2x128xf32> to vector<2x128xf32>
          %get3A_149 = arith.index_cast %multiple_of3A_144 : i32 to index
          %get3A_150 = arith.constant 0 : index
          %get3A_151 = tpu.vector_load %arg13[%get3A_149, %get3A_150] {strides = array<i32>} : memref<80x128xf32, #tpu.memory_space<vmem>>, vector<2x128xf32>,
          %get3A_152 = vector.shape_cast %get3A_151 : vector<2x128xf32> to vector<2x128xf32>
          %mul3A_153 = arith.constant 2.000000e+02 : f32
          %mul3A_154 = vector.broadcast %mul3A_153 : f32 to vector<2x128xf32>
          %mul3A_155 = arith.mulf %get3A_148, %mul3A_154 : vector<2x128xf32>
          %sub3A_156 = arith.subf %mul3A_155, %get3A_152 : vector<2x128xf32>
          %mul3A_157 = arith.mulf %sub3A_156, %sub3A_156 : vector<2x128xf32>
          %add3A_158 = arith.addf %scan3A_141, %mul3A_157 : vector<2x128xf32>
          scf.yield %add3A_158 : vector<2x128xf32>
        }
        %scan3A_134 = arith.constant 40 : i32
        %swap3A_135 = arith.constant 0 : index
        %swap3A_136 = arith.constant 0 : index
        %swap3A_137 = tpu.vector_load %arg15[%swap3A_135, %swap3A_136] {strides = array<i32>} : memref<2x128xf32, #tpu.memory_space<vmem>>, vector<2x128xf32>,
        %swap3A_138 = vector.shape_cast %swap3A_137 : vector<2x128xf32> to vector<2x128xf32>
        %swap3A_139 = vector.shape_cast %scan3A_133 : vector<2x128xf32> to vector<2x128xf32>
        tpu.vector_store %arg15[%swap3A_135, %swap3A_136], %swap3A_139 {strides = array<i32>} : memref<2x128xf32, #tpu.memory_space<vmem>>, vector<2x128xf32>,
      } else {
      }
      %add3A_89 = arith.constant 4 : i32
      %add3A_90 = arith.addi %mul3A_55, %add3A_89 : i32
      %add3A_91 = arith.constant 2 : i32
      %add3A_92 = arith.addi %add3A_90, %add3A_91 : i32
      %lt3A_93 = arith.cmpi slt, %add3A_92, %min3A_5 : i32
      %convert_element_type3A_94 = arith.extui %lt3A_93 : i1 to i32
      %cond3A_95 = arith.constant 0 : i32
      %cond3A_96 = arith.cmpi ne, %convert_element_type3A_94, %cond3A_95 : i32
      scf.if %cond3A_96 {
        %add3A_112 = arith.addi %mul3A_2, %add3A_92 : i32
        %mul3A_113 = arith.constant 80 : i32
        %mul3A_114 = arith.muli %add3A_112, %mul3A_113 : i32
        %dma_start3A = arith.constant 0 : i32
        %dma_start3A_115 = tpu.memref_slice %arg4[%mul3A_114, %dma_start3A] : memref<100000x128xf32, #tpu.memory_space<hbm>> -> memref<80x128xf32, #tpu.memory_space<hbm>>
        %dma_start3A_116 = arith.constant 0 : i32
        %dma_start3A_117 = tpu.memref_slice %arg4[%mul3A_114, %dma_start3A_116] : memref<100000x128xf32, #tpu.memory_space<hbm>> -> memref<80x128xf32, #tpu.memory_space<hbm>>
        tpu.enqueue_dma source(%dma_start3A_117 : memref<80x128xf32, #tpu.memory_space<hbm>>) target(%arg13 : memref<80x128xf32, #tpu.memory_space<vmem>>) target_semaphore(%arg22 : memref<!tpu.dma_semaphore, #tpu.memory_space<semaphore_mem>>)
        %mul3A_118 = arith.constant 80 : i32
        %mul3A_119 = arith.muli %add3A_92, %mul3A_118 : i32
        %add3A_120 = arith.addi %sub3A_12, %mul3A_119 : i32
        %multiple_of3A = tpu.assume_multiple %add3A_120, 8 : i32
        %dma_start3A_121 = tpu.memref_slice %arg6[%multiple_of3A] : memref<3200xi32, #tpu.memory_space<vmem>> -> memref<80xi32, #tpu.memory_space<vmem>>
        %dma_start3A_122 = arith.constant 0 : i32
        %dma_start3A_123 = arith.constant 0 : i32
        %dma_start3A_124 = tpu.memref_slice %arg2[%dma_start3A_122, %dma_start3A_123] : memref<262144x128xf32, #tpu.memory_space<hbm>> -> memref<262144x128xf32, #tpu.memory_space<hbm>>
        tpu.enqueue_indirect_dma source(%dma_start3A_124 : memref<262144x128xf32, #tpu.memory_space<hbm>>) target(%arg9 : memref<80x128xf32, #tpu.memory_space<vmem>>) offsets(%dma_start3A_121 : memref<80xi32, #tpu.memory_space<vmem>>) semaphore(%arg18 : memref<!tpu.dma_semaphore, #tpu.memory_space<semaphore_mem>>)
      } else {
      }
      %add3A_97 = arith.constant 3 : i32
      %add3A_98 = arith.addi %mul3A_55, %add3A_97 : i32
      %lt3A_99 = arith.cmpi slt, %add3A_98, %min3A_5 : i32
      %convert_element_type3A_100 = arith.extui %lt3A_99 : i1 to i32
      %cond3A_101 = arith.constant 0 : i32
      %cond3A_102 = arith.cmpi ne, %convert_element_type3A_100, %cond3A_101 : i32
      scf.if %cond3A_102 {
        %mul3A_112 = arith.constant 80 : i32
        %mul3A_113 = arith.muli %add3A_98, %mul3A_112 : i32
        %add3A_114 = arith.addi %sub3A_12, %mul3A_113 : i32
        %multiple_of3A = tpu.assume_multiple %add3A_114, 8 : i32
        %dma_wait3A = tpu.memref_slice %arg6[%multiple_of3A] : memref<3200xi32, #tpu.memory_space<vmem>> -> memref<80xi32, #tpu.memory_space<vmem>>
        %dma_wait3A_115 = arith.constant 0 : i32
        %dma_wait3A_116 = arith.constant 0 : i32
        %dma_wait3A_117 = tpu.memref_slice %arg2[%dma_wait3A_115, %dma_wait3A_116] : memref<262144x128xf32, #tpu.memory_space<hbm>> -> memref<262144x128xf32, #tpu.memory_space<hbm>>
        tpu.wait_indirect_dma semaphore(%arg19 : memref<!tpu.dma_semaphore, #tpu.memory_space<semaphore_mem>>) src(%dma_wait3A_117 : memref<262144x128xf32, #tpu.memory_space<hbm>>) dst(%arg10 : memref<80x128xf32, #tpu.memory_space<vmem>>)
        %add3A_118 = arith.addi %mul3A_2, %add3A_98 : i32
        %mul3A_119 = arith.constant 80 : i32
        %mul3A_120 = arith.muli %add3A_118, %mul3A_119 : i32
        %dma_wait3A_121 = arith.constant 0 : i32
        %dma_wait3A_122 = tpu.memref_slice %arg4[%mul3A_120, %dma_wait3A_121] : memref<100000x128xf32, #tpu.memory_space<hbm>> -> memref<80x128xf32, #tpu.memory_space<hbm>>
        %dma_wait3A_123 = arith.constant 0 : i32
        %dma_wait3A_124 = tpu.memref_slice %arg4[%mul3A_120, %dma_wait3A_123] : memref<100000x128xf32, #tpu.memory_space<hbm>> -> memref<80x128xf32, #tpu.memory_space<hbm>>
        tpu.wait_dma2 semaphore(%arg23 : memref<!tpu.dma_semaphore, #tpu.memory_space<semaphore_mem>>) src(%dma_wait3A_124 : memref<80x128xf32, #tpu.memory_space<hbm>>) dst(%arg14 : memref<80x128xf32, #tpu.memory_space<vmem>>)
        %get3A_125 = arith.constant 0 : index
        %get3A_126 = arith.constant 0 : index
        %get3A_127 = tpu.vector_load %arg15[%get3A_125, %get3A_126] {strides = array<i32>} : memref<2x128xf32, #tpu.memory_space<vmem>>, vector<2x128xf32>,
        %get3A_128 = vector.shape_cast %get3A_127 : vector<2x128xf32> to vector<2x128xf32>
        %scan3A_129 = arith.constant 0 : i32
        %scan3A_130 = arith.constant 40 : i32
        %scan3A_131 = arith.addi %scan3A_129, %scan3A_130 : i32
        %scan3A_132 = arith.constant 1 : i32
        %scan3A_133 = scf.for %scan3A_140 = %scan3A_129 to %scan3A_131 step %scan3A_132 iter_args(%scan3A_141 = %get3A_128) -> (vector<2x128xf32>)  : i32 {
          %mul3A_142 = arith.constant 2 : i32
          %mul3A_143 = arith.muli %mul3A_142, %scan3A_140 : i32
          %multiple_of3A_144 = tpu.assume_multiple %mul3A_143, 2 : i32
          %get3A_145 = arith.index_cast %multiple_of3A_144 : i32 to index
          %get3A_146 = arith.constant 0 : index
          %get3A_147 = tpu.vector_load %arg10[%get3A_145, %get3A_146] {strides = array<i32>} : memref<80x128xf32, #tpu.memory_space<vmem>>, vector<2x128xf32>,
          %get3A_148 = vector.shape_cast %get3A_147 : vector<2x128xf32> to vector<2x128xf32>
          %get3A_149 = arith.index_cast %multiple_of3A_144 : i32 to index
          %get3A_150 = arith.constant 0 : index
          %get3A_151 = tpu.vector_load %arg14[%get3A_149, %get3A_150] {strides = array<i32>} : memref<80x128xf32, #tpu.memory_space<vmem>>, vector<2x128xf32>,
          %get3A_152 = vector.shape_cast %get3A_151 : vector<2x128xf32> to vector<2x128xf32>
          %mul3A_153 = arith.constant 2.000000e+02 : f32
          %mul3A_154 = vector.broadcast %mul3A_153 : f32 to vector<2x128xf32>
          %mul3A_155 = arith.mulf %get3A_148, %mul3A_154 : vector<2x128xf32>
          %sub3A_156 = arith.subf %mul3A_155, %get3A_152 : vector<2x128xf32>
          %mul3A_157 = arith.mulf %sub3A_156, %sub3A_156 : vector<2x128xf32>
          %add3A_158 = arith.addf %scan3A_141, %mul3A_157 : vector<2x128xf32>
          scf.yield %add3A_158 : vector<2x128xf32>
        }
        %scan3A_134 = arith.constant 40 : i32
        %swap3A_135 = arith.constant 0 : index
        %swap3A_136 = arith.constant 0 : index
        %swap3A_137 = tpu.vector_load %arg15[%swap3A_135, %swap3A_136] {strides = array<i32>} : memref<2x128xf32, #tpu.memory_space<vmem>>, vector<2x128xf32>,
        %swap3A_138 = vector.shape_cast %swap3A_137 : vector<2x128xf32> to vector<2x128xf32>
        %swap3A_139 = vector.shape_cast %scan3A_133 : vector<2x128xf32> to vector<2x128xf32>
        tpu.vector_store %arg15[%swap3A_135, %swap3A_136], %swap3A_139 {strides = array<i32>} : memref<2x128xf32, #tpu.memory_space<vmem>>, vector<2x128xf32>,
      } else {
      }
      %add3A_103 = arith.constant 4 : i32
      %add3A_104 = arith.addi %mul3A_55, %add3A_103 : i32
      %add3A_105 = arith.constant 3 : i32
      %add3A_106 = arith.addi %add3A_104, %add3A_105 : i32
      %lt3A_107 = arith.cmpi slt, %add3A_106, %min3A_5 : i32
      %convert_element_type3A_108 = arith.extui %lt3A_107 : i1 to i32
      %cond3A_109 = arith.constant 0 : i32
      %cond3A_110 = arith.cmpi ne, %convert_element_type3A_108, %cond3A_109 : i32
      scf.if %cond3A_110 {
        %add3A_112 = arith.addi %mul3A_2, %add3A_106 : i32
        %mul3A_113 = arith.constant 80 : i32
        %mul3A_114 = arith.muli %add3A_112, %mul3A_113 : i32
        %dma_start3A = arith.constant 0 : i32
        %dma_start3A_115 = tpu.memref_slice %arg4[%mul3A_114, %dma_start3A] : memref<100000x128xf32, #tpu.memory_space<hbm>> -> memref<80x128xf32, #tpu.memory_space<hbm>>
        %dma_start3A_116 = arith.constant 0 : i32
        %dma_start3A_117 = tpu.memref_slice %arg4[%mul3A_114, %dma_start3A_116] : memref<100000x128xf32, #tpu.memory_space<hbm>> -> memref<80x128xf32, #tpu.memory_space<hbm>>
        tpu.enqueue_dma source(%dma_start3A_117 : memref<80x128xf32, #tpu.memory_space<hbm>>) target(%arg14 : memref<80x128xf32, #tpu.memory_space<vmem>>) target_semaphore(%arg23 : memref<!tpu.dma_semaphore, #tpu.memory_space<semaphore_mem>>)
        %mul3A_118 = arith.constant 80 : i32
        %mul3A_119 = arith.muli %add3A_106, %mul3A_118 : i32
        %add3A_120 = arith.addi %sub3A_12, %mul3A_119 : i32
        %multiple_of3A = tpu.assume_multiple %add3A_120, 8 : i32
        %dma_start3A_121 = tpu.memref_slice %arg6[%multiple_of3A] : memref<3200xi32, #tpu.memory_space<vmem>> -> memref<80xi32, #tpu.memory_space<vmem>>
        %dma_start3A_122 = arith.constant 0 : i32
        %dma_start3A_123 = arith.constant 0 : i32
        %dma_start3A_124 = tpu.memref_slice %arg2[%dma_start3A_122, %dma_start3A_123] : memref<262144x128xf32, #tpu.memory_space<hbm>> -> memref<262144x128xf32, #tpu.memory_space<hbm>>
        tpu.enqueue_indirect_dma source(%dma_start3A_124 : memref<262144x128xf32, #tpu.memory_space<hbm>>) target(%arg10 : memref<80x128xf32, #tpu.memory_space<vmem>>) offsets(%dma_start3A_121 : memref<80xi32, #tpu.memory_space<vmem>>) semaphore(%arg19 : memref<!tpu.dma_semaphore, #tpu.memory_space<semaphore_mem>>)
      } else {
      }
      %scan3A_111 = arith.constant 0 : i32
      scf.yield %scan3A_111 : i32
    }
    %scan3A_40 = arith.constant 10 : i32
    %get3A = arith.constant 0 : index
    %get3A_41 = arith.constant 0 : index
    %get3A_42 = tpu.vector_load %arg15[%get3A, %get3A_41] {strides = array<i32>} : memref<2x128xf32, #tpu.memory_space<vmem>>, vector<2x128xf32>,
    %get3A_43 = vector.shape_cast %get3A_42 : vector<2x128xf32> to vector<2x128xf32>
    %mul3A_44 = arith.constant 2.500000e-05 : f32
    %mul3A_45 = vector.broadcast %mul3A_44 : f32 to vector<2x128xf32>
    %mul3A_46 = arith.mulf %get3A_43, %mul3A_45 : vector<2x128xf32>
    %swap3A_47 = arith.constant 0 : index
    %swap3A_48 = arith.constant 0 : index
    %swap3A_49 = tpu.vector_load %arg15[%swap3A_47, %swap3A_48] {strides = array<i32>} : memref<2x128xf32, #tpu.memory_space<vmem>>, vector<2x128xf32>,
    %swap3A_50 = vector.shape_cast %swap3A_49 : vector<2x128xf32> to vector<2x128xf32>
    %swap3A_51 = vector.shape_cast %mul3A_46 : vector<2x128xf32> to vector<2x128xf32>
    tpu.vector_store %arg15[%swap3A_47, %swap3A_48], %swap3A_51 {strides = array<i32>} : memref<2x128xf32, #tpu.memory_space<vmem>>, vector<2x128xf32>,
    "tpu.region"() ({
      %run_scoped3A = tpu.sem_alloc : memref<!tpu.dma_semaphore, #tpu.memory_space<semaphore_mem>>
      %dma_start3A = arith.constant 0 : i32
      %dma_start3A_52 = arith.constant 0 : i32
      %dma_start3A_53 = tpu.memref_slice %arg5[%add3A, %dma_start3A, %dma_start3A_52] : memref<32x2x128xf32, #tpu.memory_space<hbm>> -> memref<1x2x128xf32, #tpu.memory_space<hbm>>
      %dma_start3A_54 = tpu.memref_squeeze %dma_start3A_53 : memref<1x2x128xf32, #tpu.memory_space<hbm>> -> memref<2x128xf32, #tpu.memory_space<hbm>>
      %dma_start3A_55 = arith.constant 0 : i32
      %dma_start3A_56 = arith.constant 0 : i32
      %dma_start3A_57 = tpu.memref_slice %arg5[%add3A, %dma_start3A_55, %dma_start3A_56] : memref<32x2x128xf32, #tpu.memory_space<hbm>> -> memref<1x2x128xf32, #tpu.memory_space<hbm>>
      %dma_start3A_58 = tpu.memref_squeeze %dma_start3A_57 : memref<1x2x128xf32, #tpu.memory_space<hbm>> -> memref<2x128xf32, #tpu.memory_space<hbm>>
      tpu.enqueue_dma source(%arg15 : memref<2x128xf32, #tpu.memory_space<vmem>>) target(%dma_start3A_58 : memref<2x128xf32, #tpu.memory_space<hbm>>) target_semaphore(%run_scoped3A : memref<!tpu.dma_semaphore, #tpu.memory_space<semaphore_mem>>)
      %dma_wait3A = arith.constant 0 : i32
      %dma_wait3A_59 = arith.constant 0 : i32
      %dma_wait3A_60 = tpu.memref_slice %arg5[%add3A, %dma_wait3A, %dma_wait3A_59] : memref<32x2x128xf32, #tpu.memory_space<hbm>> -> memref<1x2x128xf32, #tpu.memory_space<hbm>>
      %dma_wait3A_61 = tpu.memref_squeeze %dma_wait3A_60 : memref<1x2x128xf32, #tpu.memory_space<hbm>> -> memref<2x128xf32, #tpu.memory_space<hbm>>
      %dma_wait3A_62 = arith.constant 0 : i32
      %dma_wait3A_63 = arith.constant 0 : i32
      %dma_wait3A_64 = tpu.memref_slice %arg5[%add3A, %dma_wait3A_62, %dma_wait3A_63] : memref<32x2x128xf32, #tpu.memory_space<hbm>> -> memref<1x2x128xf32, #tpu.memory_space<hbm>>
      %dma_wait3A_65 = tpu.memref_squeeze %dma_wait3A_64 : memref<1x2x128xf32, #tpu.memory_space<hbm>> -> memref<2x128xf32, #tpu.memory_space<hbm>>
      tpu.wait_dma2 semaphore(%run_scoped3A : memref<!tpu.dma_semaphore, #tpu.memory_space<semaphore_mem>>) src(%arg15 : memref<2x128xf32, #tpu.memory_space<vmem>>) dst(%dma_wait3A_65 : memref<2x128xf32, #tpu.memory_space<hbm>>)
      tpu.yield
    }) : () -> ()
    return
  }
}

</mosaic_0001>

<sc_bundles>
// kernel: kernel.3.cloned.1.call-start
scs
__scs_entry_jumppad:
0x0: {  	(pc) =	sbr.rel $0x88, $3  }
0x1: {  	(tag) =	ssettag $0x0;
	lr =	simm.s32 $0x1  }
0x2: {  	[smem:$0x3F9E] =	sst lr;
	_ =	strace $0xD0000000  }
0x3: {  	_ = 	snop  }
0x4: {  	_ = 	snop  }
0x5: {  	_ = 	snop  }
0x6: {  	_ = 	snop  }
0x7: {  	_ = 	snop  }
__scs_overlays_trampoline_lowered:
0x8: {  	[smem:$0x3FAD] =	sst s0  }
0x9: {  	[smem:$0x3FAE] =	sst s1  }
0xa: {  	[smem:$0x3FAF] =	sst s2  }
0xb: {  	[smem:$0x3FB0] =	sst s3  }
0xc: {  	[smem:$0x3FB1] =	sst s4  }
0xd: {  	[smem:$0x3FB2] =	sst s5  }
0xe: {  	[smem:$0x3FB3] =	sst s6  }
0xf: {  	[smem:$0x3FB4] =	sst s7  }
0x10: {  	[smem:$0x3FB5] =	sst s8  }
0x11: {  	[smem:$0x3FB6] =	sst s9;
	s0 =	simm.s32 @!p0 $0x0  }
0x12: {  	s1 =	sld [smem:$0x3F9C];
	s0 =	simm.s32 @p0 $0x1  }
0x13: {  	[smem:$0x3FB7] =	sst s0;
	s0 =	simm.s32 @!p1 $0x0  }
0x14: {  	s2 =	sld [smem:$0x3F9B];
	s0 =	simm.s32 @p1 $0x1  }
0x15: {  	[smem:$0x3FB8] =	sst s0;
	s0 =	simm.s32 @!p2 $0x0  }
0x16: {  	s3 =	sld [smem:$0x3FDB];
	s0 =	simm.s32 @p2 $0x1  }
0x17: {  	s4 =	simm.s32 $0x1BF5;
	[smem:$0x3FBA] =	sst s0  }
0x18: {  	s0 =	sld [smem:$0x3F9D];
	_ =	swait.ge [sflag:s4], $0x0  }
0x19: {  	s7 =	sld [smem:$0x3F9E]  }
0x1a: {  	s8 =	sadd.s32 $0xFFFFE003, lr  }
0x1b: {  	s9 =	sadd.s32 $0xFFFFFEF7, lr;
	s5 =	simm.s32 $0xFFFFFFFF;
	p2 =	slt.u32 s8, $0xFFFFF086  }
0x1c: {  	p1 =	slt.u32 s9, $0xF7A;
	s5 =	simm.s32 @!p2 $0x0  }
0x1d: {  	s5 =	simm.s32 @p1 $0x1;
	p0 =	seq.s32 s7, s2  }
0x1e: {  	s7 =	smul.u32 @!p0 $0xF7A, s2;
	p2 =	seq.s32 @!p0 s5, $0x0  }
0x1f: {  	s9 =	smul.u32 $0xF7A, s1;
	s8 =	simm.s32 @!p0 $0x1BF5;
	p2 =	por !p2, p0  }
0x20: {  	[sflag:s8] =	ssyncset.s32 @!p0 $0xFFFFF086;
	s6 =	sadd.s32 @!p0 s3, s7;
	s7 =	simm.s32 @!p0 $0x108  }
0x21: {  	s3 =	sadd.s32 s3, s9;
	s6 =	sadd.s32 @!p0 $0x88, s6;
	s7 =	simm.s32 @p2 $0x1082  }
0x22: {  	[simem:s7], [sflag:s8] =	dma.local @!p0 [hbm:s6], $0xF7A  }
0x23: {  	s9 =	sor.u32 $0xD0000000, s2;
	s6 =	simm.s32 $0x108;
	_ =	swait.ge @!p0 [sflag:s8], $0x0  }
0x24: {  	s3 =	sadd.s32 $0x88, s3;
	s6 =	simm.s32 @!p1 $0x1082;
	[sflag:s4] =	ssyncset.s32 $0xFFFFF086  }
0x25: {  	[simem:s6], [sflag:s4] =	dma.local [hbm:s3], $0xF7A  }
0x26: {  	[smem:$0x3F9E] =	sst s1;
	(tag) =	ssettag s2;
	_ =	strace s9  }
0x27: {  	s1 =	sld [smem:$0x3FAE]  }
0x28: {  	s2 =	sld [smem:$0x3FAF]  }
0x29: {  	s4 =	sld [smem:$0x3FB1]  }
0x2a: {  	p0 =	seq.s32 s5, $0x0;
	s5 =	sld [smem:$0x3FB2]  }
0x2b: {  	s6 =	sld [smem:$0x3FB3]  }
0x2c: {  	s7 =	sld [smem:$0x3FB4]  }
0x2d: {  	s3 =	simm.s32 $0x108;
	s8 =	sld [smem:$0x3FB5]  }
0x2e: {  	s3 =	simm.s32 @!p0 $0x1082;
	s9 =	sld [smem:$0x3FB6]  }
0x2f: {  	lr =	sadd.s32 s0, s3;
	s0 =	sld [smem:$0x3FAD]  }
0x30: {  	s3 =	sld [smem:$0x3FB0]  }
0x31: {  	[smem:$0x3FB9] =	sst s10  }
0x32: {  	s10 =	sld [smem:$0x3FB7];
	_ =	sdelay $0x3  }
0x33: {  	p0 =	seq.s32 s10, $0x1;
	s10 =	sld [smem:$0x3FB9];
	_ =	sdelay $0x3  }
0x34: {  	[smem:$0x3FB9] =	sst s10  }
0x35: {  	s10 =	sld [smem:$0x3FB8];
	_ =	sdelay $0x3  }
0x36: {  	p1 =	seq.s32 s10, $0x1;
	s10 =	sld [smem:$0x3FB9];
	_ =	sdelay $0x3  }
0x37: {  	[smem:$0x3FB9] =	sst s10  }
0x38: {  	s10 =	sld [smem:$0x3FBA]  }
0x39: {  	_ = 	snop;
	(pc) =	sbr.ind lr, $3  }
0x3a: {  	_ = 	snop  }
0x3b: {  	_ = 	snop  }
0x3c: {  	p2 =	seq.s32 s10, $0x1;
	s10 =	sld [smem:$0x3FB9]  }
0x3d: {  	_ =	shalt  }
0x3e: {  	_ =	shalt  }
0x3f: {  	_ =	shalt  }
0x40: {  	_ =	shalt  }
0x41: {  	_ =	shalt  }
0x42: {  	_ =	shalt  }
0x43: {  	_ =	shalt  }
0x44: {  	_ =	shalt  }
0x45: {  	_ =	shalt  }
0x46: {  	_ =	shalt  }
0x47: {  	_ =	shalt  }
0x48: {  	_ =	shalt  }
0x49: {  	_ =	shalt  }
0x4a: {  	_ =	shalt  }
0x4b: {  	_ =	shalt  }
0x4c: {  	_ =	shalt  }
0x4d: {  	_ =	shalt  }
0x4e: {  	_ =	shalt  }
0x4f: {  	_ =	shalt  }
0x50: {  	_ =	shalt  }
0x51: {  	_ =	shalt  }
0x52: {  	_ =	shalt  }
0x53: {  	_ =	shalt  }
0x54: {  	_ =	shalt  }
0x55: {  	_ =	shalt  }
0x56: {  	_ =	shalt  }
0x57: {  	_ =	shalt  }
0x58: {  	_ =	shalt  }
0x59: {  	_ =	shalt  }
0x5a: {  	_ =	shalt  }
0x5b: {  	_ =	shalt  }
0x5c: {  	_ =	shalt  }
0x5d: {  	_ =	shalt  }
0x5e: {  	_ =	shalt  }
0x5f: {  	_ =	shalt  }
0x60: {  	_ =	shalt  }
0x61: {  	_ =	shalt  }
0x62: {  	_ =	shalt  }
0x63: {  	_ =	shalt  }
0x64: {  	_ =	shalt  }
0x65: {  	_ =	shalt  }
0x66: {  	_ =	shalt  }
0x67: {  	_ =	shalt  }
0x68: {  	_ =	shalt  }
0x69: {  	_ =	shalt  }
0x6a: {  	_ =	shalt  }
0x6b: {  	_ =	shalt  }
0x6c: {  	_ =	shalt  }
0x6d: {  	_ =	shalt  }
0x6e: {  	_ =	shalt  }
0x6f: {  	_ =	shalt  }
0x70: {  	_ =	shalt  }
0x71: {  	_ =	shalt  }
0x72: {  	_ =	shalt  }
0x73: {  	_ =	shalt  }
0x74: {  	_ =	shalt  }
0x75: {  	_ =	shalt  }
0x76: {  	_ =	shalt  }
0x77: {  	_ =	shalt  }
0x78: {  	_ =	shalt  }
0x79: {  	_ =	shalt  }
0x7a: {  	_ =	shalt  }
0x7b: {  	_ =	shalt  }
0x7c: {  	_ =	shalt  }
0x7d: {  	_ =	shalt  }
0x7e: {  	_ =	shalt  }
0x7f: {  	_ =	shalt  }
0x80: {  	_ =	shalt  }
0x81: {  	_ =	shalt  }
0x82: {  	_ =	shalt  }
0x83: {  	_ =	shalt  }
0x84: {  	_ =	shalt  }
0x85: {  	_ =	shalt  }
0x86: {  	_ =	shalt  }
0x87: {  	_ =	shalt  }
.Lfunc_end0:
.L_simem_size_0:
called_computation_lowered:
.L_overlay_start_0:
0x88: {  	s2 =	sld [smem:$0x3FD9]  }
0x89: {  	s3 =	sld [smem:$0x3FFE];
	_ =	sdelay $0x1  }
0x8a: {  	s1 =	srdreg.scid  }
0x8b: {  	s0 =	sand.u32 $0x1, s1  }
0x8c: {  	s17 =	sshll.u32 s0, $0xA;
	s2 =	sadd.s32 s3, s2  }
0x8d: {  	s2 =	sadd.s32 s2, s17  }
0x8e: {  	[smem:$0x3FC5] =	sst s2  }
0x8f: {  	_ = 	snop  }
0x90: {  	s2 =	sld [smem:$0x3FC9]  }
0x91: {  	s18 =	sld [smem:$0x3FC7];
	(tm) =	ssettm $0x1  }
0x92: {  	s4 =	sld [smem:$0x3FFB];
	_ =	sdelay $0x3  }
0x93: {  	_ =	strace s4  }
0x94: {  	s4 =	sld [smem:$0x3FFC];
	_ =	sdelay $0x3  }
0x95: {  	_ =	strace s4  }
0x96: {  	s4 =	sld [smem:$0x3FFD];
	_ =	sdelay $0x3  }
0x97: {  	_ =	strace s4  }
0x98: {  	_ =	strace $0x8FFFFFFF  }
0x99: {  	s19 =	sld [smem:$0x3FDB];
	_ =	sdelay $0x1  }
0x9a: {  	s5 =	simm.s32 $_scs_section_size  }
0x9b: {  	s6 =	simm.s32 $_size__tile_overlayer_lowered;
	s7 =	simm.s32 $_tile_overlayer_lowered  }
0x9c: {  	s22 =	simm.s32 $0x1BFF;
	s21 =	sshll.u32 s7, $0x1;
	s4 =	sadd.s32 s5, s19  }
0x9d: {  	s8 =	simm.s32 $0x0;
	s20 =	sshll.u32 s6, $0x1;
	s6 =	sadd.s32 s21, s4  }
0x9e: {  	[timem:s8], [sflag:s22] =	dma.local [hbm:s6], s20  }
0x9f: {  	_ =	swait.ge [sflag:s22], s20  }
0xa0: {  	s5 =	ssub.s32 $0x0, s20;
	[sflag:s22] =	ssyncset.done $0x0  }
0xa1: {  	[sflag:s22] =	ssyncadd.s32 s5;
	_ =	sdelay $0x1  }
0xa2: {  	s23 =	simm.s32 $0x1B8B  }
0xa3: {  	_ =	swait.ge [sflag:s23], $0x1  }
0xa4: {  	[sflag:s23] =	ssyncset.done $0x0  }
0xa5: {  	s25 =	simm.s32 $0x1B8E;
	s24 =	sld [smem:$0x3FFE];
	[sflag:s23] =	ssyncadd.s32 $0xFFFFFFFF  }
0xa6: {  	s26 =	simm.s32 $execute0_lowered;
	[smem:$0x3FD2] =	sst s25  }
0xa7: {  	s6 =	sshll.u32 s26, $0x1;
	_ =	strace $0x80000046;
	[dreg:$0x1] =	wrdreg $0xFFFFFFFF  }
0xa8: {  	s28 =	simm.s32 $_size_execute0_lowered;
	s4 =	sadd.s32 s4, s6;
	[dreg:$0x0] =	wrdreg $0x0  }
0xa9: {  	s6 =	sshll.u32 s28, $0x1;
	[dreg:$0x2] =	wrdreg s4  }
0xaa: {  	[dreg:$0x3] =	wrdreg s6  }
0xab: {  	[dreg:$0x4] =	wrdreg $0xC0  }
0xac: {  	_ =	task [dreg:s8], $0x5FFFF  }
0xad: {  	[dreg:$0x1] =	wrdreg $0xFFFFFFFF  }
0xae: {  	[dreg:$0x0] =	wrdreg $0x60  }
0xaf: {  	[dreg:$0x2] =	wrdreg s2  }
0xb0: {  	[dreg:$0x3] =	wrdreg s24  }
0xb1: {  	[dreg:$0x4] =	wrdreg s18  }
0xb2: {  	[dreg:$0x5] =	wrdreg $0x9  }
0xb3: {  	_ =	task.clear_ibuf [dreg:s8], $0x6FFFF;
	_ =	strace $0x90000046  }
0xb4: {  	s29 =	simm.s32 $0x9;
	_ =	strace $0x80000048  }
0xb5: {  	_ =	swait.ge [sflag:s29], $0x1  }
0xb6: {  	[sflag:s29] =	ssyncadd.s32 $0xFFFFFFFF  }
0xb7: {  	_ =	strace $0x90000048  }
0xb8: {  	_ =	sfence  }
0xb9: {  	s30 =	sld [smem:$0x0];
	_ =	sdelay $0x2  }
0xba: {  	s31 =	sshll.u32 s1, $0xD;
	s1 =	sshrl.u32 s1, $0x2  }
0xbb: {  	s3 =	sand.u32 $0x4000, s31;
	s1 =	sadd.s32 s1, s30  }
0xbc: {  	s0 =	sor.u32 s3, s0;
	s1 =	sshll.u32 s1, $0x11  }
0xbd: {  	s0 =	sor.u32 s1, s0  }
0xbe: {  	s0 =	sadd.s32 $0x8F2B, s0  }
0xbf: {  	[sflag:s0] =	ssyncadd.remote.s32 $0x1  }
0xc0: {  	_ =	sfence.sel $0xFFFF  }
0xc1: {  	[dreg:$0x0] =	wrdreg $0xFFFFFFFF;
	(pc) =	sbr.abs _section_cstart, $3  }
0xc2: {  	[dreg:$0x1] =	wrdreg $0xFFFFFFFF  }
0xc3: {  	_ =	task.clear_ibuf [dreg:s8], $0x2FFFF;
	_ =	strace $0x9FFFFFFF  }
0xc4: {  	(tm) =	ssettm $0x7FFFFFFF  }
0xc5: {  	_ =	shalt  }
tec
execute0_lowered:
.L_overlay_start_1:
0x0: {  	(tag) =	ssettag $0x1  }
0x1: {  	s1 =	rddreg [dreg:$0x0]  }
0x2: {  	s0 =	rddreg [dreg:$0x1]  }
0x3: {  	s3 =	rddreg [dreg:$0x2]  }
0x4: {  	s2 =	srdreg.scid;
	s5 =	stileid.u32;
	s4 =	simm.s32 $0x0  }
0x5: {  	s18 =	simm.s32 $0x9;
	s20 =	simm.s32 $0x50;
	s29 =	simm.s32 $0x1  }
0x6: {  	s30 =	simm.s32 $0x5;
	s2 =	sand.u32 $0x1, s2;
	s5 =	sshll.u32 s5, $0x1  }
0x7: {  	s31 =	simm.s32 $0x2;
	s19 =	simm.s32 $0x7;
	s6 =	sor.u32 s2, s5  }
0x8: {  	s21 =	simm.s32 $0x4;
	[smem:$0x7FF] =	sst s4;
	s5 =	smul.u32 $0x28, s6  }
0x9: {  	s22 =	simm.s32 $0x8;
	_ =	strace $0x80000047;
	s8 =	smul.u32 $0xC80, s6  }
0xa: {  	s2 =	ssub.s32 $0x2, s2;
	s7 =	sshll.u32 s6, $0x5;
	s10 =	smul.u32 $0xC800, s6  }
0xb: {  	s23 =	sshrl.u32 s2, $0x1;
	s13 =	smul.u32 $0x64000, s6;
	s9 =	sadd.s32 s7, s0  }
0xc: {  	s2 =	ssub.s32 s2, s23;
	s11 =	ssub.s32 $0x4E2, s5;
	s12 =	smin.u32 s8, $0x17A20  }
0xd: {  	s25 =	sshrl.u32 s13, $0x3;
	s16 =	sadd.s32 $0x3200, s9;
	s17 =	smax.u32 s2, $0x1  }
0xe: {  	s2 =	simm.s32 $0x3;
	s6 =	smin.u32 s11, $0x28;
	s7 =	ssub.s32 s8, s12  }
.Ltmp0:
0xf: {  	s24 =	sshrl.u32 s12, $0x3;
	s8 =	sadd.s32 s3, s10;
	(pc) =	sbr.rel .LBB2_1-.Ltmp0, $4  }
0x10: {  	s28 =	sadd.s32 s3, s25;
	s0 =	sadd.s32 s0, s24;
	s26 =	sadd.s32 $0x500, s8  }
0x11: {  	s11 =	sadd.s32 $0x50, s7;
	s12 =	sadd.s32 $0xA00, s28;
	s13 =	sadd.s32 $0xA0, s7  }
0x12: {  	s14 =	sadd.s32 $0xF00, s28;
	s15 =	sadd.s32 $0xF0, s7;
	[dreg:$0x4] =	wrdreg s0  }
0x13: {  	v0 =	vimm.f32 $0.0e+00;
	s24 =	simm.s32 $0x0;
	[dreg:$0x5] =	wrdreg s26;
	s0 =	simm.s32 $0x6  }
.LBB2_19:
0x14: {  	v1 =	vld [tilespmem:$0x14C80]  }
0x15: {  	v2 =	vld [tilespmem:$0x14C90]  }
0x16: {  	v3 =	vld [tilespmem:$0x14CA0]  }
0x17: {  	v4 =	vld [tilespmem:$0x14CB0]  }
0x18: {  	v5 =	vld [tilespmem:$0x14CC0]  }
0x19: {  	v6 =	vld [tilespmem:$0x14CD0];
	v1 =	vmul.f32 $2.499999940e-05, v1  }
0x1a: {  	v7 =	vld [tilespmem:$0x14CE0];
	v2 =	vmul.f32 $2.499999940e-05, v2  }
0x1b: {  	v8 =	vld [tilespmem:$0x14CF0];
	v3 =	vmul.f32 $2.499999940e-05, v3;
	[tilespmem:$0x14C80] =	vst v1  }
0x1c: {  	v4 =	vmul.f32 $2.499999940e-05, v4;
	v1 =	vld [tilespmem:$0x14D00];
	[tilespmem:$0x14C90] =	vst v2  }
0x1d: {  	v5 =	vmul.f32 $2.499999940e-05, v5;
	v2 =	vld [tilespmem:$0x14D10];
	[tilespmem:$0x14CA0] =	vst v3  }
0x1e: {  	v6 =	vmul.f32 $2.499999940e-05, v6;
	v3 =	vld [tilespmem:$0x14D20];
	[tilespmem:$0x14CB0] =	vst v4  }
0x1f: {  	v59 =	vld [tilespmem:$0x14D30];
	v7 =	vmul.f32 $2.499999940e-05, v7;
	[tilespmem:$0x14CC0] =	vst v5  }
0x20: {  	v60 =	vld [tilespmem:$0x14D40];
	v8 =	vmul.f32 $2.499999940e-05, v8;
	[tilespmem:$0x14CD0] =	vst v6  }
0x21: {  	v61 =	vld [tilespmem:$0x14D50];
	[tilespmem:$0x14CE0] =	vst v7;
	v1 =	vmul.f32 $2.499999940e-05, v1  }
0x22: {  	v62 =	vld [tilespmem:$0x14D60];
	[tilespmem:$0x14CF0] =	vst v8;
	v2 =	vmul.f32 $2.499999940e-05, v2  }
0x23: {  	v63 =	vld [tilespmem:$0x14D70];
	v3 =	vmul.f32 $2.499999940e-05, v3;
	[tilespmem:$0x14D00] =	vst v1  }
0x24: {  	v1 =	vmul.f32 $2.499999940e-05, v59;
	[tilespmem:$0x14D10] =	vst v2  }
0x25: {  	v2 =	vmul.f32 $2.499999940e-05, v60;
	[tilespmem:$0x14D20] =	vst v3  }
0x26: {  	v3 =	vmul.f32 $2.499999940e-05, v61;
	[tilespmem:$0x14D30] =	vst v1  }
0x27: {  	v1 =	vmul.f32 $2.499999940e-05, v62;
	[tilespmem:$0x14D40] =	vst v2  }
0x28: {  	s24 =	sadd.s32 $0x1, s24;
	v2 =	vmul.f32 $2.499999940e-05, v63;
	[tilespmem:$0x14D50] =	vst v3  }
0x29: {  	p0 =	sne.s32 s24, s17;
	[tilespmem:$0x14D60] =	vst v1  }
.Ltmp1:
0x2a: {  	s9 =	simm.s32 $0x14C80;
	[tilespmem:$0x14D70] =	vst v2;
	(pc) =	sbr.rel @!p0 .LBB2_20-.Ltmp1, $4  }
0x2b: {  	[hbm4b:s16+s4] =	stream.linear.scatter [tilespmem:s9], [sflag:$0x9], $0x100, $0x38;
	[tilespmem:$0x14D80] =	vst v63  }
0x2c: {  	_ =	swait.ge [sflag:s18], $0x100  }
0x2d: {  	[sflag:s18] =	ssyncset.done $0x0  }
0x2e: {  	[sflag:s18] =	ssyncadd.s32 $0xFFFFFF00  }
.LBB2_1:
0x2f: {  	s9 =	rddreg [dreg:$0x4]  }
0x30: {  	[tilespmem:s4], [sflag:$0x9] =	stream.linear.gather [hbm4b:s9+s4], $0xC80, $0x38;
	[tilespmem:$0x14D80] =	vst v63  }
0x31: {  	_ =	swait.ge [sflag:s18], $0xC80  }
0x32: {  	[sflag:s18] =	ssyncset.done $0x0  }
0x33: {  	[sflag:s18] =	ssyncadd.s32 $0xFFFFF380  }
0x34: {  	[tilespmem:$0x14C80] =	vst v0  }
0x35: {  	[tilespmem:$0x14C90] =	vst v0  }
0x36: {  	[tilespmem:$0x14CA0] =	vst v0  }
0x37: {  	[tilespmem:$0x14CB0] =	vst v0  }
0x38: {  	[tilespmem:$0x14CC0] =	vst v0  }
0x39: {  	[tilespmem:$0x14CD0] =	vst v0  }
0x3a: {  	[tilespmem:$0x14CE0] =	vst v0  }
0x3b: {  	[tilespmem:$0x14CF0] =	vst v0  }
0x3c: {  	[tilespmem:$0x14D00] =	vst v0  }
0x3d: {  	[tilespmem:$0x14D10] =	vst v0  }
0x3e: {  	[tilespmem:$0x14D20] =	vst v0  }
0x3f: {  	[tilespmem:$0x14D30] =	vst v0  }
0x40: {  	[tilespmem:$0x14D40] =	vst v0  }
0x41: {  	[tilespmem:$0x14D50] =	vst v0  }
0x42: {  	[tilespmem:$0x14D60] =	vst v0  }
0x43: {  	s25 =	simm.s32 $0xAC80;
	[tilespmem:$0x14D70] =	vst v0  }
0x44: {  	[tilespmem:s25], [sflag:$0x5] =	stream.linear.gather [hbm4b:s8+s4], $0x2800, $0x38;
	[tilespmem:$0x14D80] =	vst v63  }
0x45: {  	s26 =	simm.s32 $0xC80  }
0x46: {  	[tilespmem:s26], [sflag:$0x1] =	stream.indirect.gather [hbm4b:s1+s20], $0x80, s7, s20, $0xb8;
	[tilespmem:$0x14D80] =	vst v63  }
0x47: {  	s10 =	simm.s32 $0xD480;
	s28 =	rddreg [dreg:$0x5]  }
0x48: {  	[tilespmem:s10], [sflag:$0x6] =	stream.linear.gather [hbm4b:s28+s4], $0x2800, $0x38;
	[tilespmem:$0x14D80] =	vst v63  }
0x49: {  	s10 =	simm.s32 $0x3480  }
0x4a: {  	[tilespmem:s10], [sflag:$0x2] =	stream.indirect.gather [hbm4b:s1+s20], $0x80, s11, s20, $0xb8;
	[tilespmem:$0x14D80] =	vst v63  }
0x4b: {  	s23 =	simm.s32 $0xFC80  }
0x4c: {  	[tilespmem:s23], [sflag:$0x7] =	stream.linear.gather [hbm4b:s12+s4], $0x2800, $0x38;
	[tilespmem:$0x14D80] =	vst v63  }
0x4d: {  	s25 =	simm.s32 $0x5C80  }
0x4e: {  	[tilespmem:s25], [sflag:$0x3] =	stream.indirect.gather [hbm4b:s1+s20], $0x80, s13, s20, $0xb8;
	[tilespmem:$0x14D80] =	vst v63  }
.Ltmp2:
0x4f: {  	_ = 	snop;
	(pc) =	sbr.rel .LBB2_2-.Ltmp2, $4  }
0x50: {  	s26 =	simm.s32 $0x12480  }
0x51: {  	[tilespmem:s26], [sflag:$0x8] =	stream.linear.gather [hbm4b:s14+s4], $0x2800, $0x38;
	[tilespmem:$0x14D80] =	vst v63  }
0x52: {  	s28 =	simm.s32 $0x8480;
	s25 =	simm.s32 $0x0  }
0x53: {  	[tilespmem:s28], [sflag:$0x4] =	stream.indirect.gather [hbm4b:s1+s20], $0x80, s15, s20, $0xb8;
	[tilespmem:$0x14D80] =	vst v63  }
.LBB2_18:
0x54: {  	s9 =	sadd.s32 $0x7, s26  }
0x55: {  	p0 =	sge.u32 s9, s6  }
0x56: {  	s10 =	sadd.s32 @!p0 s5, s9;
	s9 =	smul.u32 @!p0 $0x140, s9  }
0x57: {  	s10 =	smul.u32 @!p0 $0x500, s10  }
0x58: {  	s25 =	sadd.s32 $0x1, s25;
	s23 =	simm.s32 @!p0 $0x0  }
0x59: {  	s26 =	simm.s32 @!p0 $0x12480;
	s9 =	sshra.s32 @!p0 s9, $0x2;
	s10 =	sadd.s32 @!p0 s3, s10  }
0x5a: {  	[tilespmem:s26], [sflag:$0x8] =	stream.linear.gather @!p0 [hbm4b:s10+s23], $0x2800, $0x38;
	[tilespmem:$0x14D80] =	vst v63  }
0x5b: {  	s9 =	sadd.s32 @!p0 s9, s7;
	s10 =	simm.s32 @!p0 $0x50;
	s23 =	simm.s32 @!p0 $0x8480  }
0x5c: {  	[tilespmem:s23], [sflag:$0x4] =	stream.indirect.gather @!p0 [hbm4b:s1+s10], $0x80, s9, s10, $0xb8;
	[tilespmem:$0x14D80] =	vst v63  }
0x5d: {  	p0 =	sne.s32 s25, $0xA  }
.Ltmp3:
0x5e: {  	_ = 	snop;
	(pc) =	sbr.rel @!p0 .LBB2_19-.Ltmp3, $1  }
0x5f: {  	_ =	sdelay $0x3  }
.LBB2_2:
0x60: {  	s26 =	sshll.u32 s25, $0x2  }
0x61: {  	p0 =	sge.u32 s26, s6  }
.Ltmp4:
0x62: {  	_ = 	snop;
	(pc) =	sbr.rel @p0 .LBB2_6-.Ltmp4, $1  }
0x63: {  	_ =	sdelay $0x3  }
0x64: {  	_ =	swait.ge [sflag:s29], $0x2800  }
0x65: {  	[sflag:s29] =	ssyncset.done $0x0  }
0x66: {  	[sflag:s29] =	ssyncadd.s32 $0xFFFFD800  }
0x67: {  	_ =	swait.ge [sflag:s30], $0x2800  }
0x68: {  	[sflag:s30] =	ssyncset.done $0x0  }
0x69: {  	[sflag:s30] =	ssyncadd.s32 $0xFFFFD800  }
0x6a: {  	v11 =	vld [tilespmem:$0x14C80]  }
0x6b: {  	v12 =	vld [tilespmem:$0x14C90]  }
0x6c: {  	v13 =	vld [tilespmem:$0x14CA0]  }
0x6d: {  	v25 =	vld [tilespmem:$0x14CB0]  }
0x6e: {  	v26 =	vld [tilespmem:$0x14CC0]  }
0x6f: {  	v31 =	vld [tilespmem:$0x14CD0]  }
0x70: {  	v10 =	vld [tilespmem:$0x14CE0]  }
0x71: {  	v9 =	vld [tilespmem:$0x14CF0]  }
0x72: {  	v8 =	vld [tilespmem:$0x14D00]  }
0x73: {  	v7 =	vld [tilespmem:$0x14D10]  }
0x74: {  	v6 =	vld [tilespmem:$0x14D20]  }
0x75: {  	v5 =	vld [tilespmem:$0x14D30]  }
0x76: {  	v4 =	vld [tilespmem:$0x14D40]  }
0x77: {  	v2 =	vld [tilespmem:$0x14D50]  }
0x78: {  	s9 =	simm.s32 $0xF0;
	v3 =	vld [tilespmem:$0x14D70]  }
0x79: {  	v14 =	vld [tilespmem:s9+$0xC80]  }
0x7a: {  	v15 =	vld [tilespmem:s9+$0xB90]  }
0x7b: {  	v16 =	vld [tilespmem:s9+$0xAC80]  }
0x7c: {  	v17 =	vld [tilespmem:s9+$0xBA0]  }
0x7d: {  	v18 =	vld [tilespmem:s9+$0xBB0]  }
0x7e: {  	v19 =	vld [tilespmem:s9+$0xBC0]  }
0x7f: {  	v20 =	vld [tilespmem:s9+$0xBD0]  }
0x80: {  	v21 =	vld [tilespmem:s9+$0xBE0]  }
0x81: {  	v22 =	vld [tilespmem:s9+$0xBF0]  }
0x82: {  	v23 =	vld [tilespmem:s9+$0xC00]  }
0x83: {  	v24 =	vld [tilespmem:s9+$0xC10]  }
0x84: {  	v27 =	vld [tilespmem:s9+$0xC20]  }
0x85: {  	v28 =	vld [tilespmem:s9+$0xC30]  }
0x86: {  	v29 =	vld [tilespmem:s9+$0xC40]  }
0x87: {  	v30 =	vld [tilespmem:s9+$0xC50]  }
0x88: {  	v32 =	vld [tilespmem:s9+$0xC60]  }
0x89: {  	v33 =	vld [tilespmem:s9+$0xAB90]  }
0x8a: {  	v37 =	vld [tilespmem:s9+$0xABB0];
	v14 =	vmul.f32 $2.000000000e+02, v14;
	v15 =	vmul.f32 $2.000000000e+02, v15  }
0x8b: {  	v61 =	vld [tilespmem:s9+$0xAC20];
	v17 =	vmul.f32 $2.000000000e+02, v17;
	v34 =	vmul.f32 $2.000000000e+02, v18  }
0x8c: {  	v18 =	vld [tilespmem:s9+$0xABA0];
	v35 =	vmul.f32 $2.000000000e+02, v19;
	v36 =	vmul.f32 $2.000000000e+02, v20;
	v14 =	vsub.f32 v14, v16  }
0x8d: {  	v38 =	vmul.f32 $2.000000000e+02, v21;
	v39 =	vmul.f32 $2.000000000e+02, v22;
	v22 =	vld [tilespmem:s9+$0xABC0]  }
0x8e: {  	v40 =	vmul.f32 $2.000000000e+02, v23;
	v16 =	vld [tilespmem:s9+$0xC70];
	v14 =	vmul.f32 v14, v14  }
0x8f: {  	v41 =	vmul.f32 $2.000000000e+02, v24;
	v42 =	vmul.f32 $2.000000000e+02, v27;
	v23 =	vld [tilespmem:s9+$0xABE0]  }
0x90: {  	v21 =	vmul.f32 $2.000000000e+02, v28;
	v15 =	vsub.f32 v15, v33;
	v3 =	vadd.f32 v14, v3;
	v14 =	vld [tilespmem:s9+$0xABD0]  }
0x91: {  	v20 =	vmul.f32 $2.000000000e+02, v29;
	v19 =	vmul.f32 $2.000000000e+02, v30;
	v24 =	vld [tilespmem:s9+$0xABF0];
	v27 =	vsub.f32 v17, v18  }
0x92: {  	v28 =	vld [tilespmem:s9+$0xAC00];
	v15 =	vmul.f32 v15, v15;
	v18 =	vmul.f32 $2.000000000e+02, v32;
	v60 =	vsub.f32 v35, v22  }
0x93: {  	v30 =	vld [tilespmem:s9+$0xAC10];
	v29 =	vsub.f32 v34, v37;
	v17 =	vmul.f32 $2.000000000e+02, v16;
	v27 =	vmul.f32 v27, v27  }
0x94: {  	v1 =	vld [tilespmem:$0x14D60];
	v16 =	vadd.f32 v15, v11;
	v11 =	vsub.f32 v38, v23;
	v32 =	vmul.f32 v60, v60  }
0x95: {  	v29 =	vmul.f32 v29, v29;
	v22 =	vld [tilespmem:s9+$0xAC30];
	v15 =	vadd.f32 v27, v12;
	v14 =	vsub.f32 v36, v14  }
0x96: {  	v23 =	vld [tilespmem:s9+$0xAC40];
	v12 =	vsub.f32 v39, v24;
	v63 =	vmul.f32 v11, v11;
	v11 =	vadd.f32 v32, v25  }
0x97: {  	v24 =	vld [tilespmem:s9+$0xAC50];
	v62 =	vmul.f32 v14, v14;
	v14 =	vadd.f32 v29, v13;
	v13 =	vsub.f32 v40, v28  }
0x98: {  	v25 =	vld [tilespmem:s9+$0xAC60];
	v27 =	vsub.f32 v41, v30;
	v28 =	vmul.f32 v12, v12;
	v29 =	vsub.f32 v42, v61  }
0x99: {  	s28 =	simm.s32 $0x1F0;
	s23 =	simm.s32 $0xBC0;
	v12 =	vadd.f32 v62, v26;
	v26 =	vld [tilespmem:s9+$0xAC70];
	v30 =	vmul.f32 v13, v13;
	v13 =	vadd.f32 v63, v31  }
.LBB2_4:
0x9a: {  	p0 =	sne.s32 s23, $0x9FC0;
	v31 =	vld [tilespmem:s28+$0xC80];
	v21 =	vsub.f32 v21, v22;
	v22 =	vmul.f32 v27, v27;
	v10 =	vadd.f32 v28, v10  }
0x9b: {  	v27 =	vld [tilespmem:s28+$0xB90];
	v20 =	vsub.f32 v20, v23;
	v23 =	vmul.f32 v29, v29;
	v9 =	vadd.f32 v30, v9  }
0x9c: {  	v28 =	vld [tilespmem:s28+$0xAC80];
	v19 =	vsub.f32 v19, v24;
	v21 =	vmul.f32 v21, v21;
	v8 =	vadd.f32 v22, v8  }
0x9d: {  	v22 =	vld [tilespmem:s28+$0xBA0];
	v18 =	vsub.f32 v18, v25;
	v20 =	vmul.f32 v20, v20;
	v7 =	vadd.f32 v23, v7  }
0x9e: {  	v23 =	vld [tilespmem:s28+$0xBB0];
	v17 =	vsub.f32 v17, v26;
	v19 =	vmul.f32 v19, v19;
	v6 =	vadd.f32 v21, v6  }
0x9f: {  	v21 =	vld [tilespmem:s28+$0xBC0];
	v24 =	vmul.f32 $2.000000000e+02, v31;
	v18 =	vmul.f32 v18, v18;
	v5 =	vadd.f32 v20, v5  }
0xa0: {  	v20 =	vld [tilespmem:s28+$0xBD0];
	v25 =	vmul.f32 $2.000000000e+02, v27;
	v17 =	vmul.f32 v17, v17;
	v4 =	vadd.f32 v19, v4  }
0xa1: {  	v19 =	vld [tilespmem:s28+$0xBE0];
	v24 =	vsub.f32 v24, v28;
	v2 =	vadd.f32 v18, v2  }
0xa2: {  	v18 =	vld [tilespmem:s28+$0xBF0];
	v22 =	vmul.f32 $2.000000000e+02, v22;
	v1 =	vadd.f32 v17, v1  }
0xa3: {  	v17 =	vld [tilespmem:s28+$0xC00];
	v23 =	vmul.f32 $2.000000000e+02, v23;
	v24 =	vmul.f32 v24, v24  }
0xa4: {  	v26 =	vld [tilespmem:s28+$0xC10];
	v27 =	vmul.f32 $2.000000000e+02, v21  }
0xa5: {  	v21 =	vld [tilespmem:s28+$0xC20];
	v28 =	vmul.f32 $2.000000000e+02, v20;
	v3 =	vadd.f32 v24, v3  }
0xa6: {  	v20 =	vld [tilespmem:s28+$0xC30];
	v24 =	vmul.f32 $2.000000000e+02, v19  }
0xa7: {  	v19 =	vld [tilespmem:s28+$0xC40];
	v29 =	vmul.f32 $2.000000000e+02, v18  }
0xa8: {  	v18 =	vld [tilespmem:s28+$0xC50];
	v30 =	vmul.f32 $2.000000000e+02, v17  }
0xa9: {  	v17 =	vld [tilespmem:s28+$0xC60];
	v26 =	vmul.f32 $2.000000000e+02, v26  }
0xaa: {  	v31 =	vld [tilespmem:s28+$0xC70];
	v32 =	vmul.f32 $2.000000000e+02, v21  }
0xab: {  	v33 =	vld [tilespmem:s28+$0xAB90];
	v21 =	vmul.f32 $2.000000000e+02, v20  }
0xac: {  	v34 =	vld [tilespmem:s28+$0xABA0];
	v20 =	vmul.f32 $2.000000000e+02, v19  }
0xad: {  	v35 =	vld [tilespmem:s28+$0xABB0];
	v19 =	vmul.f32 $2.000000000e+02, v18  }
0xae: {  	v36 =	vld [tilespmem:s28+$0xABC0];
	v18 =	vmul.f32 $2.000000000e+02, v17  }
0xaf: {  	v37 =	vld [tilespmem:s28+$0xABD0];
	v17 =	vmul.f32 $2.000000000e+02, v31  }
0xb0: {  	v31 =	vld [tilespmem:s28+$0xABE0];
	v25 =	vsub.f32 v25, v33  }
0xb1: {  	v33 =	vld [tilespmem:s28+$0xABF0];
	v22 =	vsub.f32 v22, v34  }
0xb2: {  	v34 =	vld [tilespmem:s28+$0xAC00];
	v23 =	vsub.f32 v23, v35;
	v25 =	vmul.f32 v25, v25  }
0xb3: {  	v35 =	vld [tilespmem:s28+$0xAC10];
	v27 =	vsub.f32 v27, v36;
	v36 =	vmul.f32 v22, v22  }
0xb4: {  	v38 =	vld [tilespmem:s28+$0xAC20];
	v28 =	vsub.f32 v28, v37;
	v37 =	vmul.f32 v23, v23;
	v16 =	vadd.f32 v25, v16  }
.Ltmp5:
0xb5: {  	v22 =	vld [tilespmem:s28+$0xAC30];
	v25 =	vsub.f32 v24, v31;
	v27 =	vmul.f32 v27, v27;
	v15 =	vadd.f32 v36, v15;
	(pc) =	sbr.rel @p0 .LBB2_4-.Ltmp5, $4  }
0xb6: {  	v23 =	vld [tilespmem:s28+$0xAC40];
	v29 =	vsub.f32 v29, v33;
	v31 =	vmul.f32 v28, v28;
	v14 =	vadd.f32 v37, v14  }
0xb7: {  	v24 =	vld [tilespmem:s28+$0xAC50];
	v30 =	vsub.f32 v30, v34;
	v33 =	vmul.f32 v25, v25;
	v11 =	vadd.f32 v27, v11  }
0xb8: {  	v25 =	vld [tilespmem:s28+$0xAC60];
	v27 =	vsub.f32 v26, v35;
	v28 =	vmul.f32 v29, v29;
	v12 =	vadd.f32 v31, v12  }
0xb9: {  	v26 =	vld [tilespmem:s28+$0xAC70];
	s28 =	sshra.s32 s23, $0x2;
	s23 =	sadd.s32 $0x400, s23;
	v29 =	vsub.f32 v32, v38;
	v30 =	vmul.f32 v30, v30;
	v13 =	vadd.f32 v33, v13  }
0xba: {  	v31 =	vld [tilespmem:s28+$0xC80]  }
0xbb: {  	v32 =	vld [tilespmem:s28+$0xB90]  }
0xbc: {  	v33 =	vld [tilespmem:s28+$0xAC80]  }
0xbd: {  	v34 =	vld [tilespmem:s28+$0xBA0]  }
0xbe: {  	v35 =	vld [tilespmem:s28+$0xBB0]  }
0xbf: {  	v36 =	vld [tilespmem:s28+$0xBC0]  }
0xc0: {  	v37 =	vld [tilespmem:s28+$0xBD0]  }
0xc1: {  	v38 =	vld [tilespmem:s28+$0xBE0]  }
0xc2: {  	v39 =	vld [tilespmem:s28+$0xBF0]  }
0xc3: {  	v40 =	vld [tilespmem:s28+$0xC00]  }
0xc4: {  	v41 =	vld [tilespmem:s28+$0xC10]  }
0xc5: {  	v42 =	vld [tilespmem:s28+$0xC20]  }
0xc6: {  	v43 =	vld [tilespmem:s28+$0xC30]  }
0xc7: {  	v44 =	vld [tilespmem:s28+$0xC40]  }
0xc8: {  	v45 =	vld [tilespmem:s28+$0xC50]  }
0xc9: {  	v46 =	vld [tilespmem:s28+$0xC60];
	v21 =	vsub.f32 v21, v22;
	v58 =	vmul.f32 v27, v27  }
0xca: {  	v10 =	vadd.f32 v28, v10;
	v27 =	vld [tilespmem:s28+$0xC70];
	v20 =	vsub.f32 v20, v23;
	v59 =	vmul.f32 v29, v29  }
0xcb: {  	v60 =	vld [tilespmem:s28+$0xAB90];
	v9 =	vadd.f32 v30, v9;
	v19 =	vsub.f32 v19, v24;
	v21 =	vmul.f32 v21, v21  }
0xcc: {  	v61 =	vld [tilespmem:s28+$0xABA0];
	v8 =	vadd.f32 v58, v8;
	v18 =	vsub.f32 v18, v25;
	v20 =	vmul.f32 v20, v20  }
0xcd: {  	v62 =	vld [tilespmem:s28+$0xABB0];
	v7 =	vadd.f32 v59, v7;
	v19 =	vmul.f32 v19, v19;
	v47 =	vmul.f32 $2.000000000e+02, v31  }
0xce: {  	v63 =	vld [tilespmem:s28+$0xABC0];
	v17 =	vsub.f32 v17, v26;
	v48 =	vmul.f32 $2.000000000e+02, v32;
	v50 =	vmul.f32 $2.000000000e+02, v34  }
0xcf: {  	v49 =	vld [tilespmem:s28+$0xABD0];
	v6 =	vadd.f32 v21, v6;
	v51 =	vmul.f32 $2.000000000e+02, v35;
	v53 =	vmul.f32 $2.000000000e+02, v36  }
0xd0: {  	v52 =	vld [tilespmem:s28+$0xABE0];
	v5 =	vadd.f32 v20, v5;
	v55 =	vmul.f32 $2.000000000e+02, v37;
	v18 =	vmul.f32 v18, v18  }
0xd1: {  	v54 =	vld [tilespmem:s28+$0xABF0];
	v58 =	vmul.f32 $2.000000000e+02, v38;
	v43 =	vmul.f32 $2.000000000e+02, v43;
	v4 =	vadd.f32 v19, v4  }
0xd2: {  	v56 =	vld [tilespmem:s28+$0xAC00];
	v27 =	vmul.f32 $2.000000000e+02, v27;
	v24 =	vsub.f32 v47, v33;
	v20 =	vsub.f32 v48, v60  }
0xd3: {  	v57 =	vld [tilespmem:s28+$0xAC10];
	v17 =	vmul.f32 v17, v17;
	v19 =	vsub.f32 v50, v61;
	v23 =	vsub.f32 v51, v62  }
0xd4: {  	v59 =	vld [tilespmem:s28+$0xAC20];
	v21 =	vsub.f32 v53, v63;
	v60 =	vmul.f32 $2.000000000e+02, v39;
	v62 =	vmul.f32 $2.000000000e+02, v40  }
0xd5: {  	v22 =	vsub.f32 v55, v49;
	v61 =	vld [tilespmem:s28+$0xAC30];
	v63 =	vmul.f32 $2.000000000e+02, v41;
	v20 =	vmul.f32 v20, v20  }
0xd6: {  	v29 =	vsub.f32 v58, v52;
	v40 =	vld [tilespmem:s28+$0xAC40];
	v41 =	vmul.f32 $2.000000000e+02, v42;
	v19 =	vmul.f32 v19, v19  }
0xd7: {  	v42 =	vld [tilespmem:s28+$0xAC50];
	v47 =	vmul.f32 $2.000000000e+02, v44;
	v23 =	vmul.f32 v23, v23;
	v16 =	vadd.f32 v20, v16  }
0xd8: {  	v48 =	vld [tilespmem:s28+$0xAC60];
	v49 =	vmul.f32 $2.000000000e+02, v45;
	v21 =	vmul.f32 v21, v21;
	v15 =	vadd.f32 v19, v15  }
0xd9: {  	v50 =	vld [tilespmem:s28+$0xAC70];
	v28 =	vsub.f32 v60, v54;
	v22 =	vmul.f32 v22, v22;
	v14 =	vadd.f32 v23, v14;
	[tilespmem:$0x14C80] =	vst v16  }
0xda: {  	v26 =	vsub.f32 v62, v56;
	v29 =	vmul.f32 v29, v29;
	v11 =	vadd.f32 v21, v11;
	[tilespmem:$0x14C90] =	vst v15  }
0xdb: {  	v52 =	vsub.f32 v63, v57;
	v63 =	vmul.f32 v24, v24;
	v12 =	vadd.f32 v22, v12;
	[tilespmem:$0x14CA0] =	vst v14  }
0xdc: {  	v51 =	vmul.f32 $2.000000000e+02, v46;
	v53 =	vmul.f32 v28, v28;
	v13 =	vadd.f32 v29, v13;
	[tilespmem:$0x14CB0] =	vst v11  }
0xdd: {  	v54 =	vsub.f32 v41, v59;
	v55 =	vmul.f32 v26, v26;
	v3 =	vadd.f32 v63, v3;
	[tilespmem:$0x14CC0] =	vst v12  }
0xde: {  	v56 =	vsub.f32 v43, v61;
	v15 =	vmul.f32 v52, v52;
	v10 =	vadd.f32 v53, v10;
	[tilespmem:$0x14CD0] =	vst v13  }
0xdf: {  	v57 =	vsub.f32 v47, v40;
	v14 =	vmul.f32 v54, v54;
	v9 =	vadd.f32 v55, v9;
	[tilespmem:$0x14D70] =	vst v3  }
0xe0: {  	v58 =	vsub.f32 v49, v42;
	v11 =	vmul.f32 v56, v56;
	v8 =	vadd.f32 v15, v8;
	[tilespmem:$0x14CE0] =	vst v10  }
0xe1: {  	v59 =	vsub.f32 v51, v48;
	v12 =	vmul.f32 v57, v57;
	v7 =	vadd.f32 v14, v7;
	[tilespmem:$0x14CF0] =	vst v9  }
0xe2: {  	v60 =	vsub.f32 v27, v50;
	v13 =	vmul.f32 v58, v58;
	v6 =	vadd.f32 v11, v6;
	[tilespmem:$0x14D00] =	vst v8  }
0xe3: {  	v2 =	vadd.f32 v18, v2;
	v61 =	vmul.f32 v59, v59;
	v5 =	vadd.f32 v12, v5;
	[tilespmem:$0x14D10] =	vst v7  }
0xe4: {  	v1 =	vadd.f32 v17, v1;
	v62 =	vmul.f32 v60, v60;
	v4 =	vadd.f32 v13, v4;
	[tilespmem:$0x14D20] =	vst v6  }
0xe5: {  	v2 =	vadd.f32 v61, v2;
	[tilespmem:$0x14D30] =	vst v5  }
0xe6: {  	v1 =	vadd.f32 v62, v1;
	[tilespmem:$0x14D40] =	vst v4  }
0xe7: {  	[tilespmem:$0x14D50] =	vst v2  }
0xe8: {  	[tilespmem:$0x14D60] =	vst v1  }
.LBB2_6:
0xe9: {  	s9 =	sadd.s32 $0x4, s26  }
0xea: {  	p0 =	sge.u32 s9, s6  }
0xeb: {  	s23 =	sadd.s32 @!p0 s5, s9;
	s9 =	smul.u32 @!p0 $0x140, s9  }
0xec: {  	s23 =	smul.u32 @!p0 $0x500, s23  }
0xed: {  	s28 =	simm.s32 @!p0 $0x0;
	s9 =	sshra.s32 @!p0 s9, $0x2  }
0xee: {  	s10 =	simm.s32 @!p0 $0xAC80;
	s23 =	sadd.s32 @!p0 s3, s23;
	s9 =	sadd.s32 @!p0 s9, s7  }
0xef: {  	[tilespmem:s10], [sflag:$0x5] =	stream.linear.gather @!p0 [hbm4b:s23+s28], $0x2800, $0x38;
	[tilespmem:$0x14D80] =	vst v63  }
0xf0: {  	s10 =	simm.s32 @!p0 $0x50;
	s23 =	simm.s32 @!p0 $0xC80;
	s28 =	sor.u32 $0x1, s26  }
0xf1: {  	[tilespmem:s23], [sflag:$0x1] =	stream.indirect.gather @!p0 [hbm4b:s1+s10], $0x80, s9, s10, $0xb8;
	[tilespmem:$0x14D80] =	vst v63  }
0xf2: {  	p0 =	sge.u32 s28, s6  }
.Ltmp6:
0xf3: {  	_ = 	snop;
	(pc) =	sbr.rel @p0 .LBB2_10-.Ltmp6, $1  }
0xf4: {  	_ =	sdelay $0x3  }
0xf5: {  	_ =	swait.ge [sflag:s31], $0x2800  }
0xf6: {  	[sflag:s31] =	ssyncset.done $0x0  }
0xf7: {  	[sflag:s31] =	ssyncadd.s32 $0xFFFFD800  }
0xf8: {  	_ =	swait.ge [sflag:s0], $0x2800  }
0xf9: {  	[sflag:s0] =	ssyncset.done $0x0  }
0xfa: {  	[sflag:s0] =	ssyncadd.s32 $0xFFFFD800  }
0xfb: {  	v11 =	vld [tilespmem:$0x14C80]  }
0xfc: {  	v12 =	vld [tilespmem:$0x14C90]  }
0xfd: {  	v13 =	vld [tilespmem:$0x14CA0]  }
0xfe: {  	v25 =	vld [tilespmem:$0x14CB0]  }
0xff: {  	v26 =	vld [tilespmem:$0x14CC0]  }
0x100: {  	v31 =	vld [tilespmem:$0x14CD0]  }
0x101: {  	v10 =	vld [tilespmem:$0x14CE0]  }
0x102: {  	v9 =	vld [tilespmem:$0x14CF0]  }
0x103: {  	v8 =	vld [tilespmem:$0x14D00]  }
0x104: {  	v7 =	vld [tilespmem:$0x14D10]  }
0x105: {  	v6 =	vld [tilespmem:$0x14D20]  }
0x106: {  	v5 =	vld [tilespmem:$0x14D30]  }
0x107: {  	v4 =	vld [tilespmem:$0x14D40]  }
0x108: {  	v2 =	vld [tilespmem:$0x14D50]  }
0x109: {  	s9 =	simm.s32 $0xF0;
	v3 =	vld [tilespmem:$0x14D70]  }
0x10a: {  	v14 =	vld [tilespmem:s9+$0x3480]  }
0x10b: {  	v15 =	vld [tilespmem:s9+$0x3390]  }
0x10c: {  	v16 =	vld [tilespmem:s9+$0xD480]  }
0x10d: {  	v17 =	vld [tilespmem:s9+$0x33A0]  }
0x10e: {  	v18 =	vld [tilespmem:s9+$0x33B0]  }
0x10f: {  	v19 =	vld [tilespmem:s9+$0x33C0]  }
0x110: {  	v20 =	vld [tilespmem:s9+$0x33D0]  }
0x111: {  	v21 =	vld [tilespmem:s9+$0x33E0]  }
0x112: {  	v22 =	vld [tilespmem:s9+$0x33F0]  }
0x113: {  	v23 =	vld [tilespmem:s9+$0x3400]  }
0x114: {  	v24 =	vld [tilespmem:s9+$0x3410]  }
0x115: {  	v27 =	vld [tilespmem:s9+$0x3420]  }
0x116: {  	v28 =	vld [tilespmem:s9+$0x3430]  }
0x117: {  	v29 =	vld [tilespmem:s9+$0x3440]  }
0x118: {  	v30 =	vld [tilespmem:s9+$0x3450]  }
0x119: {  	v32 =	vld [tilespmem:s9+$0x3460]  }
0x11a: {  	v33 =	vld [tilespmem:s9+$0xD390]  }
0x11b: {  	v37 =	vld [tilespmem:s9+$0xD3B0];
	v14 =	vmul.f32 $2.000000000e+02, v14;
	v15 =	vmul.f32 $2.000000000e+02, v15  }
0x11c: {  	v61 =	vld [tilespmem:s9+$0xD420];
	v17 =	vmul.f32 $2.000000000e+02, v17;
	v34 =	vmul.f32 $2.000000000e+02, v18  }
0x11d: {  	v18 =	vld [tilespmem:s9+$0xD3A0];
	v35 =	vmul.f32 $2.000000000e+02, v19;
	v36 =	vmul.f32 $2.000000000e+02, v20;
	v14 =	vsub.f32 v14, v16  }
0x11e: {  	v38 =	vmul.f32 $2.000000000e+02, v21;
	v39 =	vmul.f32 $2.000000000e+02, v22;
	v22 =	vld [tilespmem:s9+$0xD3C0]  }
0x11f: {  	v40 =	vmul.f32 $2.000000000e+02, v23;
	v16 =	vld [tilespmem:s9+$0x3470];
	v14 =	vmul.f32 v14, v14  }
0x120: {  	v41 =	vmul.f32 $2.000000000e+02, v24;
	v42 =	vmul.f32 $2.000000000e+02, v27;
	v23 =	vld [tilespmem:s9+$0xD3E0]  }
0x121: {  	v21 =	vmul.f32 $2.000000000e+02, v28;
	v15 =	vsub.f32 v15, v33;
	v3 =	vadd.f32 v14, v3;
	v14 =	vld [tilespmem:s9+$0xD3D0]  }
0x122: {  	v20 =	vmul.f32 $2.000000000e+02, v29;
	v19 =	vmul.f32 $2.000000000e+02, v30;
	v24 =	vld [tilespmem:s9+$0xD3F0];
	v27 =	vsub.f32 v17, v18  }
0x123: {  	v28 =	vld [tilespmem:s9+$0xD400];
	v15 =	vmul.f32 v15, v15;
	v18 =	vmul.f32 $2.000000000e+02, v32;
	v60 =	vsub.f32 v35, v22  }
0x124: {  	v30 =	vld [tilespmem:s9+$0xD410];
	v29 =	vsub.f32 v34, v37;
	v17 =	vmul.f32 $2.000000000e+02, v16;
	v27 =	vmul.f32 v27, v27  }
0x125: {  	v1 =	vld [tilespmem:$0x14D60];
	v16 =	vadd.f32 v15, v11;
	v11 =	vsub.f32 v38, v23;
	v32 =	vmul.f32 v60, v60  }
0x126: {  	v29 =	vmul.f32 v29, v29;
	v22 =	vld [tilespmem:s9+$0xD430];
	v15 =	vadd.f32 v27, v12;
	v14 =	vsub.f32 v36, v14  }
0x127: {  	v23 =	vld [tilespmem:s9+$0xD440];
	v12 =	vsub.f32 v39, v24;
	v63 =	vmul.f32 v11, v11;
	v11 =	vadd.f32 v32, v25  }
0x128: {  	v24 =	vld [tilespmem:s9+$0xD450];
	v62 =	vmul.f32 v14, v14;
	v14 =	vadd.f32 v29, v13;
	v13 =	vsub.f32 v40, v28  }
0x129: {  	v25 =	vld [tilespmem:s9+$0xD460];
	v27 =	vsub.f32 v41, v30;
	v28 =	vmul.f32 v12, v12;
	v29 =	vsub.f32 v42, v61  }
0x12a: {  	s28 =	simm.s32 $0x1F0;
	s23 =	simm.s32 $0xBC0;
	v12 =	vadd.f32 v62, v26;
	v26 =	vld [tilespmem:s9+$0xD470];
	v30 =	vmul.f32 v13, v13;
	v13 =	vadd.f32 v63, v31  }
.LBB2_8:
0x12b: {  	p0 =	sne.s32 s23, $0x9FC0;
	v31 =	vld [tilespmem:s28+$0x3480];
	v21 =	vsub.f32 v21, v22;
	v22 =	vmul.f32 v27, v27;
	v10 =	vadd.f32 v28, v10  }
0x12c: {  	v27 =	vld [tilespmem:s28+$0x3390];
	v20 =	vsub.f32 v20, v23;
	v23 =	vmul.f32 v29, v29;
	v9 =	vadd.f32 v30, v9  }
0x12d: {  	v28 =	vld [tilespmem:s28+$0xD480];
	v19 =	vsub.f32 v19, v24;
	v21 =	vmul.f32 v21, v21;
	v8 =	vadd.f32 v22, v8  }
0x12e: {  	v22 =	vld [tilespmem:s28+$0x33A0];
	v18 =	vsub.f32 v18, v25;
	v20 =	vmul.f32 v20, v20;
	v7 =	vadd.f32 v23, v7  }
0x12f: {  	v23 =	vld [tilespmem:s28+$0x33B0];
	v17 =	vsub.f32 v17, v26;
	v19 =	vmul.f32 v19, v19;
	v6 =	vadd.f32 v21, v6  }
0x130: {  	v21 =	vld [tilespmem:s28+$0x33C0];
	v24 =	vmul.f32 $2.000000000e+02, v31;
	v18 =	vmul.f32 v18, v18;
	v5 =	vadd.f32 v20, v5  }
0x131: {  	v20 =	vld [tilespmem:s28+$0x33D0];
	v25 =	vmul.f32 $2.000000000e+02, v27;
	v17 =	vmul.f32 v17, v17;
	v4 =	vadd.f32 v19, v4  }
0x132: {  	v19 =	vld [tilespmem:s28+$0x33E0];
	v24 =	vsub.f32 v24, v28;
	v2 =	vadd.f32 v18, v2  }
0x133: {  	v18 =	vld [tilespmem:s28+$0x33F0];
	v22 =	vmul.f32 $2.000000000e+02, v22;
	v1 =	vadd.f32 v17, v1  }
0x134: {  	v17 =	vld [tilespmem:s28+$0x3400];
	v23 =	vmul.f32 $2.000000000e+02, v23;
	v24 =	vmul.f32 v24, v24  }
0x135: {  	v26 =	vld [tilespmem:s28+$0x3410];
	v27 =	vmul.f32 $2.000000000e+02, v21  }
0x136: {  	v21 =	vld [tilespmem:s28+$0x3420];
	v28 =	vmul.f32 $2.000000000e+02, v20;
	v3 =	vadd.f32 v24, v3  }
0x137: {  	v20 =	vld [tilespmem:s28+$0x3430];
	v24 =	vmul.f32 $2.000000000e+02, v19  }
0x138: {  	v19 =	vld [tilespmem:s28+$0x3440];
	v29 =	vmul.f32 $2.000000000e+02, v18  }
0x139: {  	v18 =	vld [tilespmem:s28+$0x3450];
	v30 =	vmul.f32 $2.000000000e+02, v17  }
0x13a: {  	v17 =	vld [tilespmem:s28+$0x3460];
	v26 =	vmul.f32 $2.000000000e+02, v26  }
0x13b: {  	v31 =	vld [tilespmem:s28+$0x3470];
	v32 =	vmul.f32 $2.000000000e+02, v21  }
0x13c: {  	v33 =	vld [tilespmem:s28+$0xD390];
	v21 =	vmul.f32 $2.000000000e+02, v20  }
0x13d: {  	v34 =	vld [tilespmem:s28+$0xD3A0];
	v20 =	vmul.f32 $2.000000000e+02, v19  }
0x13e: {  	v35 =	vld [tilespmem:s28+$0xD3B0];
	v19 =	vmul.f32 $2.000000000e+02, v18  }
0x13f: {  	v36 =	vld [tilespmem:s28+$0xD3C0];
	v18 =	vmul.f32 $2.000000000e+02, v17  }
0x140: {  	v37 =	vld [tilespmem:s28+$0xD3D0];
	v17 =	vmul.f32 $2.000000000e+02, v31  }
0x141: {  	v31 =	vld [tilespmem:s28+$0xD3E0];
	v25 =	vsub.f32 v25, v33  }
0x142: {  	v33 =	vld [tilespmem:s28+$0xD3F0];
	v22 =	vsub.f32 v22, v34  }
0x143: {  	v34 =	vld [tilespmem:s28+$0xD400];
	v23 =	vsub.f32 v23, v35;
	v25 =	vmul.f32 v25, v25  }
0x144: {  	v35 =	vld [tilespmem:s28+$0xD410];
	v27 =	vsub.f32 v27, v36;
	v36 =	vmul.f32 v22, v22  }
0x145: {  	v38 =	vld [tilespmem:s28+$0xD420];
	v28 =	vsub.f32 v28, v37;
	v37 =	vmul.f32 v23, v23;
	v16 =	vadd.f32 v25, v16  }
.Ltmp7:
0x146: {  	v22 =	vld [tilespmem:s28+$0xD430];
	v25 =	vsub.f32 v24, v31;
	v27 =	vmul.f32 v27, v27;
	v15 =	vadd.f32 v36, v15;
	(pc) =	sbr.rel @p0 .LBB2_8-.Ltmp7, $4  }
0x147: {  	v23 =	vld [tilespmem:s28+$0xD440];
	v29 =	vsub.f32 v29, v33;
	v31 =	vmul.f32 v28, v28;
	v14 =	vadd.f32 v37, v14  }
0x148: {  	v24 =	vld [tilespmem:s28+$0xD450];
	v30 =	vsub.f32 v30, v34;
	v33 =	vmul.f32 v25, v25;
	v11 =	vadd.f32 v27, v11  }
0x149: {  	v25 =	vld [tilespmem:s28+$0xD460];
	v27 =	vsub.f32 v26, v35;
	v28 =	vmul.f32 v29, v29;
	v12 =	vadd.f32 v31, v12  }
0x14a: {  	v26 =	vld [tilespmem:s28+$0xD470];
	s28 =	sshra.s32 s23, $0x2;
	s23 =	sadd.s32 $0x400, s23;
	v29 =	vsub.f32 v32, v38;
	v30 =	vmul.f32 v30, v30;
	v13 =	vadd.f32 v33, v13  }
0x14b: {  	v31 =	vld [tilespmem:s28+$0x3480]  }
0x14c: {  	v32 =	vld [tilespmem:s28+$0x3390]  }
0x14d: {  	v33 =	vld [tilespmem:s28+$0xD480]  }
0x14e: {  	v34 =	vld [tilespmem:s28+$0x33A0]  }
0x14f: {  	v35 =	vld [tilespmem:s28+$0x33B0]  }
0x150: {  	v36 =	vld [tilespmem:s28+$0x33C0]  }
0x151: {  	v37 =	vld [tilespmem:s28+$0x33D0]  }
0x152: {  	v38 =	vld [tilespmem:s28+$0x33E0]  }
0x153: {  	v39 =	vld [tilespmem:s28+$0x33F0]  }
0x154: {  	v40 =	vld [tilespmem:s28+$0x3400]  }
0x155: {  	v41 =	vld [tilespmem:s28+$0x3410]  }
0x156: {  	v42 =	vld [tilespmem:s28+$0x3420]  }
0x157: {  	v43 =	vld [tilespmem:s28+$0x3430]  }
0x158: {  	v44 =	vld [tilespmem:s28+$0x3440]  }
0x159: {  	v45 =	vld [tilespmem:s28+$0x3450]  }
0x15a: {  	v46 =	vld [tilespmem:s28+$0x3460];
	v21 =	vsub.f32 v21, v22;
	v58 =	vmul.f32 v27, v27  }
0x15b: {  	v10 =	vadd.f32 v28, v10;
	v27 =	vld [tilespmem:s28+$0x3470];
	v20 =	vsub.f32 v20, v23;
	v59 =	vmul.f32 v29, v29  }
0x15c: {  	v60 =	vld [tilespmem:s28+$0xD390];
	v9 =	vadd.f32 v30, v9;
	v19 =	vsub.f32 v19, v24;
	v21 =	vmul.f32 v21, v21  }
0x15d: {  	v61 =	vld [tilespmem:s28+$0xD3A0];
	v8 =	vadd.f32 v58, v8;
	v18 =	vsub.f32 v18, v25;
	v20 =	vmul.f32 v20, v20  }
0x15e: {  	v62 =	vld [tilespmem:s28+$0xD3B0];
	v7 =	vadd.f32 v59, v7;
	v19 =	vmul.f32 v19, v19;
	v47 =	vmul.f32 $2.000000000e+02, v31  }
0x15f: {  	v63 =	vld [tilespmem:s28+$0xD3C0];
	v17 =	vsub.f32 v17, v26;
	v48 =	vmul.f32 $2.000000000e+02, v32;
	v50 =	vmul.f32 $2.000000000e+02, v34  }
0x160: {  	v49 =	vld [tilespmem:s28+$0xD3D0];
	v6 =	vadd.f32 v21, v6;
	v51 =	vmul.f32 $2.000000000e+02, v35;
	v53 =	vmul.f32 $2.000000000e+02, v36  }
0x161: {  	v52 =	vld [tilespmem:s28+$0xD3E0];
	v5 =	vadd.f32 v20, v5;
	v55 =	vmul.f32 $2.000000000e+02, v37;
	v18 =	vmul.f32 v18, v18  }
0x162: {  	v54 =	vld [tilespmem:s28+$0xD3F0];
	v58 =	vmul.f32 $2.000000000e+02, v38;
	v43 =	vmul.f32 $2.000000000e+02, v43;
	v4 =	vadd.f32 v19, v4  }
0x163: {  	v56 =	vld [tilespmem:s28+$0xD400];
	v27 =	vmul.f32 $2.000000000e+02, v27;
	v24 =	vsub.f32 v47, v33;
	v20 =	vsub.f32 v48, v60  }
0x164: {  	v57 =	vld [tilespmem:s28+$0xD410];
	v17 =	vmul.f32 v17, v17;
	v19 =	vsub.f32 v50, v61;
	v23 =	vsub.f32 v51, v62  }
0x165: {  	v59 =	vld [tilespmem:s28+$0xD420];
	v21 =	vsub.f32 v53, v63;
	v60 =	vmul.f32 $2.000000000e+02, v39;
	v62 =	vmul.f32 $2.000000000e+02, v40  }
0x166: {  	v22 =	vsub.f32 v55, v49;
	v61 =	vld [tilespmem:s28+$0xD430];
	v63 =	vmul.f32 $2.000000000e+02, v41;
	v20 =	vmul.f32 v20, v20  }
0x167: {  	v29 =	vsub.f32 v58, v52;
	v40 =	vld [tilespmem:s28+$0xD440];
	v41 =	vmul.f32 $2.000000000e+02, v42;
	v19 =	vmul.f32 v19, v19  }
0x168: {  	v42 =	vld [tilespmem:s28+$0xD450];
	v47 =	vmul.f32 $2.000000000e+02, v44;
	v23 =	vmul.f32 v23, v23;
	v16 =	vadd.f32 v20, v16  }
0x169: {  	v48 =	vld [tilespmem:s28+$0xD460];
	v49 =	vmul.f32 $2.000000000e+02, v45;
	v21 =	vmul.f32 v21, v21;
	v15 =	vadd.f32 v19, v15  }
0x16a: {  	v50 =	vld [tilespmem:s28+$0xD470];
	v28 =	vsub.f32 v60, v54;
	v22 =	vmul.f32 v22, v22;
	v14 =	vadd.f32 v23, v14;
	[tilespmem:$0x14C80] =	vst v16  }
0x16b: {  	v26 =	vsub.f32 v62, v56;
	v29 =	vmul.f32 v29, v29;
	v11 =	vadd.f32 v21, v11;
	[tilespmem:$0x14C90] =	vst v15  }
0x16c: {  	v52 =	vsub.f32 v63, v57;
	v63 =	vmul.f32 v24, v24;
	v12 =	vadd.f32 v22, v12;
	[tilespmem:$0x14CA0] =	vst v14  }
0x16d: {  	v51 =	vmul.f32 $2.000000000e+02, v46;
	v53 =	vmul.f32 v28, v28;
	v13 =	vadd.f32 v29, v13;
	[tilespmem:$0x14CB0] =	vst v11  }
0x16e: {  	v54 =	vsub.f32 v41, v59;
	v55 =	vmul.f32 v26, v26;
	v3 =	vadd.f32 v63, v3;
	[tilespmem:$0x14CC0] =	vst v12  }
0x16f: {  	v56 =	vsub.f32 v43, v61;
	v15 =	vmul.f32 v52, v52;
	v10 =	vadd.f32 v53, v10;
	[tilespmem:$0x14CD0] =	vst v13  }
0x170: {  	v57 =	vsub.f32 v47, v40;
	v14 =	vmul.f32 v54, v54;
	v9 =	vadd.f32 v55, v9;
	[tilespmem:$0x14D70] =	vst v3  }
0x171: {  	v58 =	vsub.f32 v49, v42;
	v11 =	vmul.f32 v56, v56;
	v8 =	vadd.f32 v15, v8;
	[tilespmem:$0x14CE0] =	vst v10  }
0x172: {  	v59 =	vsub.f32 v51, v48;
	v12 =	vmul.f32 v57, v57;
	v7 =	vadd.f32 v14, v7;
	[tilespmem:$0x14CF0] =	vst v9  }
0x173: {  	v60 =	vsub.f32 v27, v50;
	v13 =	vmul.f32 v58, v58;
	v6 =	vadd.f32 v11, v6;
	[tilespmem:$0x14D00] =	vst v8  }
0x174: {  	v2 =	vadd.f32 v18, v2;
	v61 =	vmul.f32 v59, v59;
	v5 =	vadd.f32 v12, v5;
	[tilespmem:$0x14D10] =	vst v7  }
0x175: {  	v1 =	vadd.f32 v17, v1;
	v62 =	vmul.f32 v60, v60;
	v4 =	vadd.f32 v13, v4;
	[tilespmem:$0x14D20] =	vst v6  }
0x176: {  	v2 =	vadd.f32 v61, v2;
	[tilespmem:$0x14D30] =	vst v5  }
0x177: {  	v1 =	vadd.f32 v62, v1;
	[tilespmem:$0x14D40] =	vst v4  }
0x178: {  	[tilespmem:$0x14D50] =	vst v2  }
0x179: {  	[tilespmem:$0x14D60] =	vst v1  }
.LBB2_10:
0x17a: {  	s9 =	sadd.s32 $0x5, s26  }
0x17b: {  	p0 =	sge.u32 s9, s6  }
0x17c: {  	s10 =	sadd.s32 @!p0 s5, s9;
	s9 =	smul.u32 @!p0 $0x140, s9  }
0x17d: {  	s10 =	smul.u32 @!p0 $0x500, s10  }
0x17e: {  	s23 =	simm.s32 @!p0 $0x0;
	s9 =	sshra.s32 @!p0 s9, $0x2  }
0x17f: {  	s28 =	simm.s32 @!p0 $0xD480;
	s10 =	sadd.s32 @!p0 s3, s10;
	s9 =	sadd.s32 @!p0 s9, s7  }
0x180: {  	[tilespmem:s28], [sflag:$0x6] =	stream.linear.gather @!p0 [hbm4b:s10+s23], $0x2800, $0x38;
	[tilespmem:$0x14D80] =	vst v63  }
0x181: {  	s10 =	simm.s32 @!p0 $0x50;
	s23 =	simm.s32 @!p0 $0x3480;
	s28 =	sor.u32 $0x2, s26  }
0x182: {  	[tilespmem:s23], [sflag:$0x2] =	stream.indirect.gather @!p0 [hbm4b:s1+s10], $0x80, s9, s10, $0xb8;
	[tilespmem:$0x14D80] =	vst v63  }
0x183: {  	p0 =	sge.u32 s28, s6  }
.Ltmp8:
0x184: {  	_ = 	snop;
	(pc) =	sbr.rel @p0 .LBB2_14-.Ltmp8, $1  }
0x185: {  	_ =	sdelay $0x3  }
0x186: {  	_ =	swait.ge [sflag:s2], $0x2800  }
0x187: {  	[sflag:s2] =	ssyncset.done $0x0  }
0x188: {  	[sflag:s2] =	ssyncadd.s32 $0xFFFFD800  }
0x189: {  	_ =	swait.ge [sflag:s19], $0x2800  }
0x18a: {  	[sflag:s19] =	ssyncset.done $0x0  }
0x18b: {  	[sflag:s19] =	ssyncadd.s32 $0xFFFFD800  }
0x18c: {  	v11 =	vld [tilespmem:$0x14C80]  }
0x18d: {  	v12 =	vld [tilespmem:$0x14C90]  }
0x18e: {  	v13 =	vld [tilespmem:$0x14CA0]  }
0x18f: {  	v25 =	vld [tilespmem:$0x14CB0]  }
0x190: {  	v26 =	vld [tilespmem:$0x14CC0]  }
0x191: {  	v31 =	vld [tilespmem:$0x14CD0]  }
0x192: {  	v10 =	vld [tilespmem:$0x14CE0]  }
0x193: {  	v9 =	vld [tilespmem:$0x14CF0]  }
0x194: {  	v8 =	vld [tilespmem:$0x14D00]  }
0x195: {  	v7 =	vld [tilespmem:$0x14D10]  }
0x196: {  	v6 =	vld [tilespmem:$0x14D20]  }
0x197: {  	v5 =	vld [tilespmem:$0x14D30]  }
0x198: {  	v4 =	vld [tilespmem:$0x14D40]  }
0x199: {  	v2 =	vld [tilespmem:$0x14D50]  }
0x19a: {  	s9 =	simm.s32 $0xF0;
	v3 =	vld [tilespmem:$0x14D70]  }
0x19b: {  	v14 =	vld [tilespmem:s9+$0x5C80]  }
0x19c: {  	v15 =	vld [tilespmem:s9+$0x5B90]  }
0x19d: {  	v16 =	vld [tilespmem:s9+$0xFC80]  }
0x19e: {  	v17 =	vld [tilespmem:s9+$0x5BA0]  }
0x19f: {  	v18 =	vld [tilespmem:s9+$0x5BB0]  }
0x1a0: {  	v19 =	vld [tilespmem:s9+$0x5BC0]  }
0x1a1: {  	v20 =	vld [tilespmem:s9+$0x5BD0]  }
0x1a2: {  	v21 =	vld [tilespmem:s9+$0x5BE0]  }
0x1a3: {  	v22 =	vld [tilespmem:s9+$0x5BF0]  }
0x1a4: {  	v23 =	vld [tilespmem:s9+$0x5C00]  }
0x1a5: {  	v24 =	vld [tilespmem:s9+$0x5C10]  }
0x1a6: {  	v27 =	vld [tilespmem:s9+$0x5C20]  }
0x1a7: {  	v28 =	vld [tilespmem:s9+$0x5C30]  }
0x1a8: {  	v29 =	vld [tilespmem:s9+$0x5C40]  }
0x1a9: {  	v30 =	vld [tilespmem:s9+$0x5C50]  }
0x1aa: {  	v32 =	vld [tilespmem:s9+$0x5C60]  }
0x1ab: {  	v33 =	vld [tilespmem:s9+$0xFB90]  }
0x1ac: {  	v37 =	vld [tilespmem:s9+$0xFBB0];
	v14 =	vmul.f32 $2.000000000e+02, v14;
	v15 =	vmul.f32 $2.000000000e+02, v15  }
0x1ad: {  	v61 =	vld [tilespmem:s9+$0xFC20];
	v17 =	vmul.f32 $2.000000000e+02, v17;
	v34 =	vmul.f32 $2.000000000e+02, v18  }
0x1ae: {  	v18 =	vld [tilespmem:s9+$0xFBA0];
	v35 =	vmul.f32 $2.000000000e+02, v19;
	v36 =	vmul.f32 $2.000000000e+02, v20;
	v14 =	vsub.f32 v14, v16  }
0x1af: {  	v38 =	vmul.f32 $2.000000000e+02, v21;
	v39 =	vmul.f32 $2.000000000e+02, v22;
	v22 =	vld [tilespmem:s9+$0xFBC0]  }
0x1b0: {  	v40 =	vmul.f32 $2.000000000e+02, v23;
	v16 =	vld [tilespmem:s9+$0x5C70];
	v14 =	vmul.f32 v14, v14  }
0x1b1: {  	v41 =	vmul.f32 $2.000000000e+02, v24;
	v42 =	vmul.f32 $2.000000000e+02, v27;
	v23 =	vld [tilespmem:s9+$0xFBE0]  }
0x1b2: {  	v21 =	vmul.f32 $2.000000000e+02, v28;
	v15 =	vsub.f32 v15, v33;
	v3 =	vadd.f32 v14, v3;
	v14 =	vld [tilespmem:s9+$0xFBD0]  }
0x1b3: {  	v20 =	vmul.f32 $2.000000000e+02, v29;
	v19 =	vmul.f32 $2.000000000e+02, v30;
	v24 =	vld [tilespmem:s9+$0xFBF0];
	v27 =	vsub.f32 v17, v18  }
0x1b4: {  	v28 =	vld [tilespmem:s9+$0xFC00];
	v15 =	vmul.f32 v15, v15;
	v18 =	vmul.f32 $2.000000000e+02, v32;
	v60 =	vsub.f32 v35, v22  }
0x1b5: {  	v30 =	vld [tilespmem:s9+$0xFC10];
	v29 =	vsub.f32 v34, v37;
	v17 =	vmul.f32 $2.000000000e+02, v16;
	v27 =	vmul.f32 v27, v27  }
0x1b6: {  	v1 =	vld [tilespmem:$0x14D60];
	v16 =	vadd.f32 v15, v11;
	v11 =	vsub.f32 v38, v23;
	v32 =	vmul.f32 v60, v60  }
0x1b7: {  	v29 =	vmul.f32 v29, v29;
	v22 =	vld [tilespmem:s9+$0xFC30];
	v15 =	vadd.f32 v27, v12;
	v14 =	vsub.f32 v36, v14  }
0x1b8: {  	v23 =	vld [tilespmem:s9+$0xFC40];
	v12 =	vsub.f32 v39, v24;
	v63 =	vmul.f32 v11, v11;
	v11 =	vadd.f32 v32, v25  }
0x1b9: {  	v24 =	vld [tilespmem:s9+$0xFC50];
	v62 =	vmul.f32 v14, v14;
	v14 =	vadd.f32 v29, v13;
	v13 =	vsub.f32 v40, v28  }
0x1ba: {  	v25 =	vld [tilespmem:s9+$0xFC60];
	v27 =	vsub.f32 v41, v30;
	v28 =	vmul.f32 v12, v12;
	v29 =	vsub.f32 v42, v61  }
0x1bb: {  	s28 =	simm.s32 $0x1F0;
	s23 =	simm.s32 $0xBC0;
	v12 =	vadd.f32 v62, v26;
	v26 =	vld [tilespmem:s9+$0xFC70];
	v30 =	vmul.f32 v13, v13;
	v13 =	vadd.f32 v63, v31  }
.LBB2_12:
0x1bc: {  	p0 =	sne.s32 s23, $0x9FC0;
	v31 =	vld [tilespmem:s28+$0x5C80];
	v21 =	vsub.f32 v21, v22;
	v22 =	vmul.f32 v27, v27;
	v10 =	vadd.f32 v28, v10  }
0x1bd: {  	v27 =	vld [tilespmem:s28+$0x5B90];
	v20 =	vsub.f32 v20, v23;
	v23 =	vmul.f32 v29, v29;
	v9 =	vadd.f32 v30, v9  }
0x1be: {  	v28 =	vld [tilespmem:s28+$0xFC80];
	v19 =	vsub.f32 v19, v24;
	v21 =	vmul.f32 v21, v21;
	v8 =	vadd.f32 v22, v8  }
0x1bf: {  	v22 =	vld [tilespmem:s28+$0x5BA0];
	v18 =	vsub.f32 v18, v25;
	v20 =	vmul.f32 v20, v20;
	v7 =	vadd.f32 v23, v7  }
0x1c0: {  	v23 =	vld [tilespmem:s28+$0x5BB0];
	v17 =	vsub.f32 v17, v26;
	v19 =	vmul.f32 v19, v19;
	v6 =	vadd.f32 v21, v6  }
0x1c1: {  	v21 =	vld [tilespmem:s28+$0x5BC0];
	v24 =	vmul.f32 $2.000000000e+02, v31;
	v18 =	vmul.f32 v18, v18;
	v5 =	vadd.f32 v20, v5  }
0x1c2: {  	v20 =	vld [tilespmem:s28+$0x5BD0];
	v25 =	vmul.f32 $2.000000000e+02, v27;
	v17 =	vmul.f32 v17, v17;
	v4 =	vadd.f32 v19, v4  }
0x1c3: {  	v19 =	vld [tilespmem:s28+$0x5BE0];
	v24 =	vsub.f32 v24, v28;
	v2 =	vadd.f32 v18, v2  }
0x1c4: {  	v18 =	vld [tilespmem:s28+$0x5BF0];
	v22 =	vmul.f32 $2.000000000e+02, v22;
	v1 =	vadd.f32 v17, v1  }
0x1c5: {  	v17 =	vld [tilespmem:s28+$0x5C00];
	v23 =	vmul.f32 $2.000000000e+02, v23;
	v24 =	vmul.f32 v24, v24  }
0x1c6: {  	v26 =	vld [tilespmem:s28+$0x5C10];
	v27 =	vmul.f32 $2.000000000e+02, v21  }
0x1c7: {  	v21 =	vld [tilespmem:s28+$0x5C20];
	v28 =	vmul.f32 $2.000000000e+02, v20;
	v3 =	vadd.f32 v24, v3  }
0x1c8: {  	v20 =	vld [tilespmem:s28+$0x5C30];
	v24 =	vmul.f32 $2.000000000e+02, v19  }
0x1c9: {  	v19 =	vld [tilespmem:s28+$0x5C40];
	v29 =	vmul.f32 $2.000000000e+02, v18  }
0x1ca: {  	v18 =	vld [tilespmem:s28+$0x5C50];
	v30 =	vmul.f32 $2.000000000e+02, v17  }
0x1cb: {  	v17 =	vld [tilespmem:s28+$0x5C60];
	v26 =	vmul.f32 $2.000000000e+02, v26  }
0x1cc: {  	v31 =	vld [tilespmem:s28+$0x5C70];
	v32 =	vmul.f32 $2.000000000e+02, v21  }
0x1cd: {  	v33 =	vld [tilespmem:s28+$0xFB90];
	v21 =	vmul.f32 $2.000000000e+02, v20  }
0x1ce: {  	v34 =	vld [tilespmem:s28+$0xFBA0];
	v20 =	vmul.f32 $2.000000000e+02, v19  }
0x1cf: {  	v35 =	vld [tilespmem:s28+$0xFBB0];
	v19 =	vmul.f32 $2.000000000e+02, v18  }
0x1d0: {  	v36 =	vld [tilespmem:s28+$0xFBC0];
	v18 =	vmul.f32 $2.000000000e+02, v17  }
0x1d1: {  	v37 =	vld [tilespmem:s28+$0xFBD0];
	v17 =	vmul.f32 $2.000000000e+02, v31  }
0x1d2: {  	v31 =	vld [tilespmem:s28+$0xFBE0];
	v25 =	vsub.f32 v25, v33  }
0x1d3: {  	v33 =	vld [tilespmem:s28+$0xFBF0];
	v22 =	vsub.f32 v22, v34  }
0x1d4: {  	v34 =	vld [tilespmem:s28+$0xFC00];
	v23 =	vsub.f32 v23, v35;
	v25 =	vmul.f32 v25, v25  }
0x1d5: {  	v35 =	vld [tilespmem:s28+$0xFC10];
	v27 =	vsub.f32 v27, v36;
	v36 =	vmul.f32 v22, v22  }
0x1d6: {  	v38 =	vld [tilespmem:s28+$0xFC20];
	v28 =	vsub.f32 v28, v37;
	v37 =	vmul.f32 v23, v23;
	v16 =	vadd.f32 v25, v16  }
.Ltmp9:
0x1d7: {  	v22 =	vld [tilespmem:s28+$0xFC30];
	v25 =	vsub.f32 v24, v31;
	v27 =	vmul.f32 v27, v27;
	v15 =	vadd.f32 v36, v15;
	(pc) =	sbr.rel @p0 .LBB2_12-.Ltmp9, $4  }
0x1d8: {  	v23 =	vld [tilespmem:s28+$0xFC40];
	v29 =	vsub.f32 v29, v33;
	v31 =	vmul.f32 v28, v28;
	v14 =	vadd.f32 v37, v14  }
0x1d9: {  	v24 =	vld [tilespmem:s28+$0xFC50];
	v30 =	vsub.f32 v30, v34;
	v33 =	vmul.f32 v25, v25;
	v11 =	vadd.f32 v27, v11  }
0x1da: {  	v25 =	vld [tilespmem:s28+$0xFC60];
	v27 =	vsub.f32 v26, v35;
	v28 =	vmul.f32 v29, v29;
	v12 =	vadd.f32 v31, v12  }
0x1db: {  	v26 =	vld [tilespmem:s28+$0xFC70];
	s28 =	sshra.s32 s23, $0x2;
	s23 =	sadd.s32 $0x400, s23;
	v29 =	vsub.f32 v32, v38;
	v30 =	vmul.f32 v30, v30;
	v13 =	vadd.f32 v33, v13  }
0x1dc: {  	v31 =	vld [tilespmem:s28+$0x5C80]  }
0x1dd: {  	v32 =	vld [tilespmem:s28+$0x5B90]  }
0x1de: {  	v33 =	vld [tilespmem:s28+$0xFC80]  }
0x1df: {  	v34 =	vld [tilespmem:s28+$0x5BA0]  }
0x1e0: {  	v35 =	vld [tilespmem:s28+$0x5BB0]  }
0x1e1: {  	v36 =	vld [tilespmem:s28+$0x5BC0]  }
0x1e2: {  	v37 =	vld [tilespmem:s28+$0x5BD0]  }
0x1e3: {  	v38 =	vld [tilespmem:s28+$0x5BE0]  }
0x1e4: {  	v39 =	vld [tilespmem:s28+$0x5BF0]  }
0x1e5: {  	v40 =	vld [tilespmem:s28+$0x5C00]  }
0x1e6: {  	v41 =	vld [tilespmem:s28+$0x5C10]  }
0x1e7: {  	v42 =	vld [tilespmem:s28+$0x5C20]  }
0x1e8: {  	v43 =	vld [tilespmem:s28+$0x5C30]  }
0x1e9: {  	v44 =	vld [tilespmem:s28+$0x5C40]  }
0x1ea: {  	v45 =	vld [tilespmem:s28+$0x5C50]  }
0x1eb: {  	v46 =	vld [tilespmem:s28+$0x5C60];
	v21 =	vsub.f32 v21, v22;
	v58 =	vmul.f32 v27, v27  }
0x1ec: {  	v10 =	vadd.f32 v28, v10;
	v27 =	vld [tilespmem:s28+$0x5C70];
	v20 =	vsub.f32 v20, v23;
	v59 =	vmul.f32 v29, v29  }
0x1ed: {  	v60 =	vld [tilespmem:s28+$0xFB90];
	v9 =	vadd.f32 v30, v9;
	v19 =	vsub.f32 v19, v24;
	v21 =	vmul.f32 v21, v21  }
0x1ee: {  	v61 =	vld [tilespmem:s28+$0xFBA0];
	v8 =	vadd.f32 v58, v8;
	v18 =	vsub.f32 v18, v25;
	v20 =	vmul.f32 v20, v20  }
0x1ef: {  	v62 =	vld [tilespmem:s28+$0xFBB0];
	v7 =	vadd.f32 v59, v7;
	v19 =	vmul.f32 v19, v19;
	v47 =	vmul.f32 $2.000000000e+02, v31  }
0x1f0: {  	v63 =	vld [tilespmem:s28+$0xFBC0];
	v17 =	vsub.f32 v17, v26;
	v48 =	vmul.f32 $2.000000000e+02, v32;
	v50 =	vmul.f32 $2.000000000e+02, v34  }
0x1f1: {  	v49 =	vld [tilespmem:s28+$0xFBD0];
	v6 =	vadd.f32 v21, v6;
	v51 =	vmul.f32 $2.000000000e+02, v35;
	v53 =	vmul.f32 $2.000000000e+02, v36  }
0x1f2: {  	v52 =	vld [tilespmem:s28+$0xFBE0];
	v5 =	vadd.f32 v20, v5;
	v55 =	vmul.f32 $2.000000000e+02, v37;
	v18 =	vmul.f32 v18, v18  }
0x1f3: {  	v54 =	vld [tilespmem:s28+$0xFBF0];
	v58 =	vmul.f32 $2.000000000e+02, v38;
	v43 =	vmul.f32 $2.000000000e+02, v43;
	v4 =	vadd.f32 v19, v4  }
0x1f4: {  	v56 =	vld [tilespmem:s28+$0xFC00];
	v27 =	vmul.f32 $2.000000000e+02, v27;
	v24 =	vsub.f32 v47, v33;
	v20 =	vsub.f32 v48, v60  }
0x1f5: {  	v57 =	vld [tilespmem:s28+$0xFC10];
	v17 =	vmul.f32 v17, v17;
	v19 =	vsub.f32 v50, v61;
	v23 =	vsub.f32 v51, v62  }
0x1f6: {  	v59 =	vld [tilespmem:s28+$0xFC20];
	v21 =	vsub.f32 v53, v63;
	v60 =	vmul.f32 $2.000000000e+02, v39;
	v62 =	vmul.f32 $2.000000000e+02, v40  }
0x1f7: {  	v22 =	vsub.f32 v55, v49;
	v61 =	vld [tilespmem:s28+$0xFC30];
	v63 =	vmul.f32 $2.000000000e+02, v41;
	v20 =	vmul.f32 v20, v20  }
0x1f8: {  	v29 =	vsub.f32 v58, v52;
	v40 =	vld [tilespmem:s28+$0xFC40];
	v41 =	vmul.f32 $2.000000000e+02, v42;
	v19 =	vmul.f32 v19, v19  }
0x1f9: {  	v42 =	vld [tilespmem:s28+$0xFC50];
	v47 =	vmul.f32 $2.000000000e+02, v44;
	v23 =	vmul.f32 v23, v23;
	v16 =	vadd.f32 v20, v16  }
0x1fa: {  	v48 =	vld [tilespmem:s28+$0xFC60];
	v49 =	vmul.f32 $2.000000000e+02, v45;
	v21 =	vmul.f32 v21, v21;
	v15 =	vadd.f32 v19, v15  }
0x1fb: {  	v50 =	vld [tilespmem:s28+$0xFC70];
	v28 =	vsub.f32 v60, v54;
	v22 =	vmul.f32 v22, v22;
	v14 =	vadd.f32 v23, v14;
	[tilespmem:$0x14C80] =	vst v16  }
0x1fc: {  	v26 =	vsub.f32 v62, v56;
	v29 =	vmul.f32 v29, v29;
	v11 =	vadd.f32 v21, v11;
	[tilespmem:$0x14C90] =	vst v15  }
0x1fd: {  	v52 =	vsub.f32 v63, v57;
	v63 =	vmul.f32 v24, v24;
	v12 =	vadd.f32 v22, v12;
	[tilespmem:$0x14CA0] =	vst v14  }
0x1fe: {  	v51 =	vmul.f32 $2.000000000e+02, v46;
	v53 =	vmul.f32 v28, v28;
	v13 =	vadd.f32 v29, v13;
	[tilespmem:$0x14CB0] =	vst v11  }
0x1ff: {  	v54 =	vsub.f32 v41, v59;
	v55 =	vmul.f32 v26, v26;
	v3 =	vadd.f32 v63, v3;
	[tilespmem:$0x14CC0] =	vst v12  }
0x200: {  	v56 =	vsub.f32 v43, v61;
	v15 =	vmul.f32 v52, v52;
	v10 =	vadd.f32 v53, v10;
	[tilespmem:$0x14CD0] =	vst v13  }
0x201: {  	v57 =	vsub.f32 v47, v40;
	v14 =	vmul.f32 v54, v54;
	v9 =	vadd.f32 v55, v9;
	[tilespmem:$0x14D70] =	vst v3  }
0x202: {  	v58 =	vsub.f32 v49, v42;
	v11 =	vmul.f32 v56, v56;
	v8 =	vadd.f32 v15, v8;
	[tilespmem:$0x14CE0] =	vst v10  }
0x203: {  	v59 =	vsub.f32 v51, v48;
	v12 =	vmul.f32 v57, v57;
	v7 =	vadd.f32 v14, v7;
	[tilespmem:$0x14CF0] =	vst v9  }
0x204: {  	v60 =	vsub.f32 v27, v50;
	v13 =	vmul.f32 v58, v58;
	v6 =	vadd.f32 v11, v6;
	[tilespmem:$0x14D00] =	vst v8  }
0x205: {  	v2 =	vadd.f32 v18, v2;
	v61 =	vmul.f32 v59, v59;
	v5 =	vadd.f32 v12, v5;
	[tilespmem:$0x14D10] =	vst v7  }
0x206: {  	v1 =	vadd.f32 v17, v1;
	v62 =	vmul.f32 v60, v60;
	v4 =	vadd.f32 v13, v4;
	[tilespmem:$0x14D20] =	vst v6  }
0x207: {  	v2 =	vadd.f32 v61, v2;
	[tilespmem:$0x14D30] =	vst v5  }
0x208: {  	v1 =	vadd.f32 v62, v1;
	[tilespmem:$0x14D40] =	vst v4  }
0x209: {  	[tilespmem:$0x14D50] =	vst v2  }
0x20a: {  	[tilespmem:$0x14D60] =	vst v1  }
.LBB2_14:
0x20b: {  	s9 =	sadd.s32 $0x6, s26  }
0x20c: {  	p0 =	sge.u32 s9, s6  }
0x20d: {  	s10 =	sadd.s32 @!p0 s5, s9;
	s9 =	smul.u32 @!p0 $0x140, s9  }
0x20e: {  	s10 =	smul.u32 @!p0 $0x500, s10  }
0x20f: {  	s23 =	simm.s32 @!p0 $0x0;
	s9 =	sshra.s32 @!p0 s9, $0x2  }
0x210: {  	s28 =	simm.s32 @!p0 $0xFC80;
	s10 =	sadd.s32 @!p0 s3, s10;
	s9 =	sadd.s32 @!p0 s9, s7  }
0x211: {  	[tilespmem:s28], [sflag:$0x7] =	stream.linear.gather @!p0 [hbm4b:s10+s23], $0x2800, $0x38;
	[tilespmem:$0x14D80] =	vst v63  }
0x212: {  	s10 =	simm.s32 @!p0 $0x50;
	s23 =	simm.s32 @!p0 $0x5C80;
	s28 =	sor.u32 $0x3, s26  }
0x213: {  	[tilespmem:s23], [sflag:$0x3] =	stream.indirect.gather @!p0 [hbm4b:s1+s10], $0x80, s9, s10, $0xb8;
	[tilespmem:$0x14D80] =	vst v63  }
0x214: {  	p0 =	sge.u32 s28, s6  }
.Ltmp10:
0x215: {  	_ = 	snop;
	(pc) =	sbr.rel @p0 .LBB2_18-.Ltmp10, $1  }
0x216: {  	_ =	sdelay $0x3  }
0x217: {  	_ =	swait.ge [sflag:s21], $0x2800  }
0x218: {  	[sflag:s21] =	ssyncset.done $0x0  }
0x219: {  	[sflag:s21] =	ssyncadd.s32 $0xFFFFD800  }
0x21a: {  	_ =	swait.ge [sflag:s22], $0x2800  }
0x21b: {  	[sflag:s22] =	ssyncset.done $0x0  }
0x21c: {  	[sflag:s22] =	ssyncadd.s32 $0xFFFFD800  }
0x21d: {  	v11 =	vld [tilespmem:$0x14C80]  }
0x21e: {  	v12 =	vld [tilespmem:$0x14C90]  }
0x21f: {  	v13 =	vld [tilespmem:$0x14CA0]  }
0x220: {  	v25 =	vld [tilespmem:$0x14CB0]  }
0x221: {  	v26 =	vld [tilespmem:$0x14CC0]  }
0x222: {  	v31 =	vld [tilespmem:$0x14CD0]  }
0x223: {  	v10 =	vld [tilespmem:$0x14CE0]  }
0x224: {  	v9 =	vld [tilespmem:$0x14CF0]  }
0x225: {  	v8 =	vld [tilespmem:$0x14D00]  }
0x226: {  	v7 =	vld [tilespmem:$0x14D10]  }
0x227: {  	v6 =	vld [tilespmem:$0x14D20]  }
0x228: {  	v5 =	vld [tilespmem:$0x14D30]  }
0x229: {  	v4 =	vld [tilespmem:$0x14D40]  }
0x22a: {  	v2 =	vld [tilespmem:$0x14D50]  }
0x22b: {  	s9 =	simm.s32 $0xF0;
	v3 =	vld [tilespmem:$0x14D70]  }
0x22c: {  	v14 =	vld [tilespmem:s9+$0x8480]  }
0x22d: {  	v15 =	vld [tilespmem:s9+$0x8390]  }
0x22e: {  	v16 =	vld [tilespmem:s9+$0x12480]  }
0x22f: {  	v17 =	vld [tilespmem:s9+$0x83A0]  }
0x230: {  	v18 =	vld [tilespmem:s9+$0x83B0]  }
0x231: {  	v19 =	vld [tilespmem:s9+$0x83C0]  }
0x232: {  	v20 =	vld [tilespmem:s9+$0x83D0]  }
0x233: {  	v21 =	vld [tilespmem:s9+$0x83E0]  }
0x234: {  	v22 =	vld [tilespmem:s9+$0x83F0]  }
0x235: {  	v23 =	vld [tilespmem:s9+$0x8400]  }
0x236: {  	v24 =	vld [tilespmem:s9+$0x8410]  }
0x237: {  	v27 =	vld [tilespmem:s9+$0x8420]  }
0x238: {  	v28 =	vld [tilespmem:s9+$0x8430]  }
0x239: {  	v29 =	vld [tilespmem:s9+$0x8440]  }
0x23a: {  	v30 =	vld [tilespmem:s9+$0x8450]  }
0x23b: {  	v32 =	vld [tilespmem:s9+$0x8460]  }
0x23c: {  	v33 =	vld [tilespmem:s9+$0x12390]  }
0x23d: {  	v37 =	vld [tilespmem:s9+$0x123B0];
	v14 =	vmul.f32 $2.000000000e+02, v14;
	v15 =	vmul.f32 $2.000000000e+02, v15  }
0x23e: {  	v61 =	vld [tilespmem:s9+$0x12420];
	v17 =	vmul.f32 $2.000000000e+02, v17;
	v34 =	vmul.f32 $2.000000000e+02, v18  }
0x23f: {  	v18 =	vld [tilespmem:s9+$0x123A0];
	v35 =	vmul.f32 $2.000000000e+02, v19;
	v36 =	vmul.f32 $2.000000000e+02, v20;
	v14 =	vsub.f32 v14, v16  }
0x240: {  	v38 =	vmul.f32 $2.000000000e+02, v21;
	v39 =	vmul.f32 $2.000000000e+02, v22;
	v22 =	vld [tilespmem:s9+$0x123C0]  }
0x241: {  	v40 =	vmul.f32 $2.000000000e+02, v23;
	v16 =	vld [tilespmem:s9+$0x8470];
	v14 =	vmul.f32 v14, v14  }
0x242: {  	v41 =	vmul.f32 $2.000000000e+02, v24;
	v42 =	vmul.f32 $2.000000000e+02, v27;
	v23 =	vld [tilespmem:s9+$0x123E0]  }
0x243: {  	v21 =	vmul.f32 $2.000000000e+02, v28;
	v15 =	vsub.f32 v15, v33;
	v3 =	vadd.f32 v14, v3;
	v14 =	vld [tilespmem:s9+$0x123D0]  }
0x244: {  	v20 =	vmul.f32 $2.000000000e+02, v29;
	v19 =	vmul.f32 $2.000000000e+02, v30;
	v24 =	vld [tilespmem:s9+$0x123F0];
	v27 =	vsub.f32 v17, v18  }
0x245: {  	v28 =	vld [tilespmem:s9+$0x12400];
	v15 =	vmul.f32 v15, v15;
	v18 =	vmul.f32 $2.000000000e+02, v32;
	v60 =	vsub.f32 v35, v22  }
0x246: {  	v30 =	vld [tilespmem:s9+$0x12410];
	v29 =	vsub.f32 v34, v37;
	v17 =	vmul.f32 $2.000000000e+02, v16;
	v27 =	vmul.f32 v27, v27  }
0x247: {  	v1 =	vld [tilespmem:$0x14D60];
	v16 =	vadd.f32 v15, v11;
	v11 =	vsub.f32 v38, v23;
	v32 =	vmul.f32 v60, v60  }
0x248: {  	v29 =	vmul.f32 v29, v29;
	v22 =	vld [tilespmem:s9+$0x12430];
	v15 =	vadd.f32 v27, v12;
	v14 =	vsub.f32 v36, v14  }
0x249: {  	v23 =	vld [tilespmem:s9+$0x12440];
	v12 =	vsub.f32 v39, v24;
	v63 =	vmul.f32 v11, v11;
	v11 =	vadd.f32 v32, v25  }
0x24a: {  	v24 =	vld [tilespmem:s9+$0x12450];
	v62 =	vmul.f32 v14, v14;
	v14 =	vadd.f32 v29, v13;
	v13 =	vsub.f32 v40, v28  }
0x24b: {  	v25 =	vld [tilespmem:s9+$0x12460];
	v27 =	vsub.f32 v41, v30;
	v28 =	vmul.f32 v12, v12;
	v29 =	vsub.f32 v42, v61  }
0x24c: {  	s28 =	simm.s32 $0x1F0;
	s23 =	simm.s32 $0xBC0;
	v12 =	vadd.f32 v62, v26;
	v26 =	vld [tilespmem:s9+$0x12470];
	v30 =	vmul.f32 v13, v13;
	v13 =	vadd.f32 v63, v31  }
.LBB2_16:
0x24d: {  	p0 =	sne.s32 s23, $0x9FC0;
	v31 =	vld [tilespmem:s28+$0x8480];
	v21 =	vsub.f32 v21, v22;
	v22 =	vmul.f32 v27, v27;
	v10 =	vadd.f32 v28, v10  }
0x24e: {  	v27 =	vld [tilespmem:s28+$0x8390];
	v20 =	vsub.f32 v20, v23;
	v23 =	vmul.f32 v29, v29;
	v9 =	vadd.f32 v30, v9  }
0x24f: {  	v28 =	vld [tilespmem:s28+$0x12480];
	v19 =	vsub.f32 v19, v24;
	v21 =	vmul.f32 v21, v21;
	v8 =	vadd.f32 v22, v8  }
0x250: {  	v22 =	vld [tilespmem:s28+$0x83A0];
	v18 =	vsub.f32 v18, v25;
	v20 =	vmul.f32 v20, v20;
	v7 =	vadd.f32 v23, v7  }
0x251: {  	v23 =	vld [tilespmem:s28+$0x83B0];
	v17 =	vsub.f32 v17, v26;
	v19 =	vmul.f32 v19, v19;
	v6 =	vadd.f32 v21, v6  }
0x252: {  	v21 =	vld [tilespmem:s28+$0x83C0];
	v24 =	vmul.f32 $2.000000000e+02, v31;
	v18 =	vmul.f32 v18, v18;
	v5 =	vadd.f32 v20, v5  }
0x253: {  	v20 =	vld [tilespmem:s28+$0x83D0];
	v25 =	vmul.f32 $2.000000000e+02, v27;
	v17 =	vmul.f32 v17, v17;
	v4 =	vadd.f32 v19, v4  }
0x254: {  	v19 =	vld [tilespmem:s28+$0x83E0];
	v24 =	vsub.f32 v24, v28;
	v2 =	vadd.f32 v18, v2  }
0x255: {  	v18 =	vld [tilespmem:s28+$0x83F0];
	v22 =	vmul.f32 $2.000000000e+02, v22;
	v1 =	vadd.f32 v17, v1  }
0x256: {  	v17 =	vld [tilespmem:s28+$0x8400];
	v23 =	vmul.f32 $2.000000000e+02, v23;
	v24 =	vmul.f32 v24, v24  }
0x257: {  	v26 =	vld [tilespmem:s28+$0x8410];
	v27 =	vmul.f32 $2.000000000e+02, v21  }
0x258: {  	v21 =	vld [tilespmem:s28+$0x8420];
	v28 =	vmul.f32 $2.000000000e+02, v20;
	v3 =	vadd.f32 v24, v3  }
0x259: {  	v20 =	vld [tilespmem:s28+$0x8430];
	v24 =	vmul.f32 $2.000000000e+02, v19  }
0x25a: {  	v19 =	vld [tilespmem:s28+$0x8440];
	v29 =	vmul.f32 $2.000000000e+02, v18  }
0x25b: {  	v18 =	vld [tilespmem:s28+$0x8450];
	v30 =	vmul.f32 $2.000000000e+02, v17  }
0x25c: {  	v17 =	vld [tilespmem:s28+$0x8460];
	v26 =	vmul.f32 $2.000000000e+02, v26  }
0x25d: {  	v31 =	vld [tilespmem:s28+$0x8470];
	v32 =	vmul.f32 $2.000000000e+02, v21  }
0x25e: {  	v33 =	vld [tilespmem:s28+$0x12390];
	v21 =	vmul.f32 $2.000000000e+02, v20  }
0x25f: {  	v34 =	vld [tilespmem:s28+$0x123A0];
	v20 =	vmul.f32 $2.000000000e+02, v19  }
0x260: {  	v35 =	vld [tilespmem:s28+$0x123B0];
	v19 =	vmul.f32 $2.000000000e+02, v18  }
0x261: {  	v36 =	vld [tilespmem:s28+$0x123C0];
	v18 =	vmul.f32 $2.000000000e+02, v17  }
0x262: {  	v37 =	vld [tilespmem:s28+$0x123D0];
	v17 =	vmul.f32 $2.000000000e+02, v31  }
0x263: {  	v31 =	vld [tilespmem:s28+$0x123E0];
	v25 =	vsub.f32 v25, v33  }
0x264: {  	v33 =	vld [tilespmem:s28+$0x123F0];
	v22 =	vsub.f32 v22, v34  }
0x265: {  	v34 =	vld [tilespmem:s28+$0x12400];
	v23 =	vsub.f32 v23, v35;
	v25 =	vmul.f32 v25, v25  }
0x266: {  	v35 =	vld [tilespmem:s28+$0x12410];
	v27 =	vsub.f32 v27, v36;
	v36 =	vmul.f32 v22, v22  }
0x267: {  	v38 =	vld [tilespmem:s28+$0x12420];
	v28 =	vsub.f32 v28, v37;
	v37 =	vmul.f32 v23, v23;
	v16 =	vadd.f32 v25, v16  }
.Ltmp11:
0x268: {  	v22 =	vld [tilespmem:s28+$0x12430];
	v25 =	vsub.f32 v24, v31;
	v27 =	vmul.f32 v27, v27;
	v15 =	vadd.f32 v36, v15;
	(pc) =	sbr.rel @p0 .LBB2_16-.Ltmp11, $4  }
0x269: {  	v23 =	vld [tilespmem:s28+$0x12440];
	v29 =	vsub.f32 v29, v33;
	v31 =	vmul.f32 v28, v28;
	v14 =	vadd.f32 v37, v14  }
0x26a: {  	v24 =	vld [tilespmem:s28+$0x12450];
	v30 =	vsub.f32 v30, v34;
	v33 =	vmul.f32 v25, v25;
	v11 =	vadd.f32 v27, v11  }
0x26b: {  	v25 =	vld [tilespmem:s28+$0x12460];
	v27 =	vsub.f32 v26, v35;
	v28 =	vmul.f32 v29, v29;
	v12 =	vadd.f32 v31, v12  }
0x26c: {  	v26 =	vld [tilespmem:s28+$0x12470];
	s28 =	sshra.s32 s23, $0x2;
	s23 =	sadd.s32 $0x400, s23;
	v29 =	vsub.f32 v32, v38;
	v30 =	vmul.f32 v30, v30;
	v13 =	vadd.f32 v33, v13  }
0x26d: {  	v31 =	vld [tilespmem:s28+$0x8480]  }
0x26e: {  	v32 =	vld [tilespmem:s28+$0x8390]  }
0x26f: {  	v33 =	vld [tilespmem:s28+$0x12480]  }
0x270: {  	v34 =	vld [tilespmem:s28+$0x83A0]  }
0x271: {  	v35 =	vld [tilespmem:s28+$0x83B0]  }
0x272: {  	v36 =	vld [tilespmem:s28+$0x83C0]  }
0x273: {  	v37 =	vld [tilespmem:s28+$0x83D0]  }
0x274: {  	v38 =	vld [tilespmem:s28+$0x83E0]  }
0x275: {  	v39 =	vld [tilespmem:s28+$0x83F0]  }
0x276: {  	v40 =	vld [tilespmem:s28+$0x8400]  }
0x277: {  	v41 =	vld [tilespmem:s28+$0x8410]  }
0x278: {  	v42 =	vld [tilespmem:s28+$0x8420]  }
0x279: {  	v43 =	vld [tilespmem:s28+$0x8430]  }
0x27a: {  	v44 =	vld [tilespmem:s28+$0x8440]  }
0x27b: {  	v45 =	vld [tilespmem:s28+$0x8450]  }
0x27c: {  	v46 =	vld [tilespmem:s28+$0x8460];
	v21 =	vsub.f32 v21, v22;
	v58 =	vmul.f32 v27, v27  }
0x27d: {  	v10 =	vadd.f32 v28, v10;
	v27 =	vld [tilespmem:s28+$0x8470];
	v20 =	vsub.f32 v20, v23;
	v59 =	vmul.f32 v29, v29  }
0x27e: {  	v60 =	vld [tilespmem:s28+$0x12390];
	v9 =	vadd.f32 v30, v9;
	v19 =	vsub.f32 v19, v24;
	v21 =	vmul.f32 v21, v21  }
0x27f: {  	v61 =	vld [tilespmem:s28+$0x123A0];
	v8 =	vadd.f32 v58, v8;
	v18 =	vsub.f32 v18, v25;
	v20 =	vmul.f32 v20, v20  }
0x280: {  	v62 =	vld [tilespmem:s28+$0x123B0];
	v7 =	vadd.f32 v59, v7;
	v19 =	vmul.f32 v19, v19;
	v47 =	vmul.f32 $2.000000000e+02, v31  }
0x281: {  	v63 =	vld [tilespmem:s28+$0x123C0];
	v17 =	vsub.f32 v17, v26;
	v48 =	vmul.f32 $2.000000000e+02, v32;
	v50 =	vmul.f32 $2.000000000e+02, v34  }
0x282: {  	v49 =	vld [tilespmem:s28+$0x123D0];
	v6 =	vadd.f32 v21, v6;
	v51 =	vmul.f32 $2.000000000e+02, v35;
	v53 =	vmul.f32 $2.000000000e+02, v36  }
0x283: {  	v52 =	vld [tilespmem:s28+$0x123E0];
	v5 =	vadd.f32 v20, v5;
	v55 =	vmul.f32 $2.000000000e+02, v37;
	v18 =	vmul.f32 v18, v18  }
0x284: {  	v54 =	vld [tilespmem:s28+$0x123F0];
	v58 =	vmul.f32 $2.000000000e+02, v38;
	v43 =	vmul.f32 $2.000000000e+02, v43;
	v4 =	vadd.f32 v19, v4  }
0x285: {  	v56 =	vld [tilespmem:s28+$0x12400];
	v27 =	vmul.f32 $2.000000000e+02, v27;
	v24 =	vsub.f32 v47, v33;
	v20 =	vsub.f32 v48, v60  }
0x286: {  	v57 =	vld [tilespmem:s28+$0x12410];
	v17 =	vmul.f32 v17, v17;
	v19 =	vsub.f32 v50, v61;
	v23 =	vsub.f32 v51, v62  }
0x287: {  	v59 =	vld [tilespmem:s28+$0x12420];
	v21 =	vsub.f32 v53, v63;
	v60 =	vmul.f32 $2.000000000e+02, v39;
	v62 =	vmul.f32 $2.000000000e+02, v40  }
0x288: {  	v22 =	vsub.f32 v55, v49;
	v61 =	vld [tilespmem:s28+$0x12430];
	v63 =	vmul.f32 $2.000000000e+02, v41;
	v20 =	vmul.f32 v20, v20  }
0x289: {  	v29 =	vsub.f32 v58, v52;
	v40 =	vld [tilespmem:s28+$0x12440];
	v41 =	vmul.f32 $2.000000000e+02, v42;
	v19 =	vmul.f32 v19, v19  }
0x28a: {  	v42 =	vld [tilespmem:s28+$0x12450];
	v47 =	vmul.f32 $2.000000000e+02, v44;
	v23 =	vmul.f32 v23, v23;
	v16 =	vadd.f32 v20, v16  }
0x28b: {  	v48 =	vld [tilespmem:s28+$0x12460];
	v49 =	vmul.f32 $2.000000000e+02, v45;
	v21 =	vmul.f32 v21, v21;
	v15 =	vadd.f32 v19, v15  }
0x28c: {  	v50 =	vld [tilespmem:s28+$0x12470];
	v28 =	vsub.f32 v60, v54;
	v22 =	vmul.f32 v22, v22;
	v14 =	vadd.f32 v23, v14;
	[tilespmem:$0x14C80] =	vst v16  }
0x28d: {  	v26 =	vsub.f32 v62, v56;
	v29 =	vmul.f32 v29, v29;
	v11 =	vadd.f32 v21, v11;
	[tilespmem:$0x14C90] =	vst v15  }
0x28e: {  	v52 =	vsub.f32 v63, v57;
	v63 =	vmul.f32 v24, v24;
	v12 =	vadd.f32 v22, v12;
	[tilespmem:$0x14CA0] =	vst v14  }
0x28f: {  	v51 =	vmul.f32 $2.000000000e+02, v46;
	v53 =	vmul.f32 v28, v28;
	v13 =	vadd.f32 v29, v13;
	[tilespmem:$0x14CB0] =	vst v11  }
0x290: {  	v54 =	vsub.f32 v41, v59;
	v55 =	vmul.f32 v26, v26;
	v3 =	vadd.f32 v63, v3;
	[tilespmem:$0x14CC0] =	vst v12  }
0x291: {  	v56 =	vsub.f32 v43, v61;
	v15 =	vmul.f32 v52, v52;
	v10 =	vadd.f32 v53, v10;
	[tilespmem:$0x14CD0] =	vst v13  }
0x292: {  	v57 =	vsub.f32 v47, v40;
	v14 =	vmul.f32 v54, v54;
	v9 =	vadd.f32 v55, v9;
	[tilespmem:$0x14D70] =	vst v3  }
0x293: {  	v58 =	vsub.f32 v49, v42;
	v11 =	vmul.f32 v56, v56;
	v8 =	vadd.f32 v15, v8;
	[tilespmem:$0x14CE0] =	vst v10  }
0x294: {  	v59 =	vsub.f32 v51, v48;
	v12 =	vmul.f32 v57, v57;
	v7 =	vadd.f32 v14, v7;
	[tilespmem:$0x14CF0] =	vst v9  }
0x295: {  	v60 =	vsub.f32 v27, v50;
	v13 =	vmul.f32 v58, v58;
	v6 =	vadd.f32 v11, v6;
	[tilespmem:$0x14D00] =	vst v8  }
0x296: {  	v2 =	vadd.f32 v18, v2;
	v61 =	vmul.f32 v59, v59;
	v5 =	vadd.f32 v12, v5;
	[tilespmem:$0x14D10] =	vst v7  }
.Ltmp12:
0x297: {  	v1 =	vadd.f32 v17, v1;
	v62 =	vmul.f32 v60, v60;
	v4 =	vadd.f32 v13, v4;
	[tilespmem:$0x14D20] =	vst v6;
	(pc) =	sbr.rel .LBB2_18-.Ltmp12, $4  }
0x298: {  	v2 =	vadd.f32 v61, v2;
	[tilespmem:$0x14D30] =	vst v5  }
0x299: {  	v1 =	vadd.f32 v62, v1;
	[tilespmem:$0x14D40] =	vst v4  }
0x29a: {  	[tilespmem:$0x14D50] =	vst v2  }
0x29b: {  	[tilespmem:$0x14D60] =	vst v1  }
.LBB2_20:
0x29c: {  	_ =	sfence.sel $0x180000  }
0x29d: {  	[bflag:$0x0] =	sbarrier.arrive $0xFFFF  }
0x29e: {  	_ =	strace $0x90000047  }
0x29f: {  	s0 =	stileid.u32;
	[bflag:$0x2] =	sbarrier.arrive $0xFFFF  }
0x2a0: {  	p0 =	sne.s32 s0, $0x0;
	s0 =	rddreg [dreg:$0x3]  }
0x2a1: {  	s0 =	sadd.s32 @!p0 $0x100000, s0  }
0x2a2: {  	[sflag:s0] =	ssyncadd.tile.s32 @!p0 $0x1;
	_ =	shalt  }
.Lfunc_end2:
_tile_overlayer_lowered:
.L_overlay_start_2:
0x2a3: {  	(tag) =	ssettag $0x2  }
0x2a4: {  	s0 =	rddreg [dreg:$0x0];
	s2 =	stileid.u32  }
0x2a5: {  	s1 =	rddreg [dreg:$0x1];
	p0 =	sne.s32 s2, $0x0  }
0x2a6: {  	s3 =	rddreg [dreg:$0x2];
	[bflag:$0x3] =	sbarrier.arrive $0xFFFF;
	s2 =	simm.s32 @!p0 $0x1C09  }
0x2a7: {  	[timem:s3], [sflag:s2] =	dma.local @!p0 [hbm:s0], s1  }
0x2a8: {  	s0 =	simm.s32 @!p0 $0x9  }
0x2a9: {  	_ =	swait.ge @!p0 [sflag:s0], s1  }
0x2aa: {  	s1 =	ssub.s32 @!p0 $0x0, s1;
	[sflag:s0] =	ssyncset.done @!p0 $0x0  }
0x2ab: {  	[sflag:s0] =	ssyncadd.s32 @!p0 s1  }
0x2ac: {  	[bflag:$0x3] =	sbarrier.arrive $0xFFFF  }
0x2ad: {  	_ =	shalt  }

</sc_bundles>
